<compile_context>
chip_gen: v7x
topology: tpu7x:2x2x1
jax: 0.10.2.dev20260603
libtpu: 0.0.44.dev20260713+nightly
codegen_flags: <defaults>
</compile_context>

<pallas_src>
import functools

import jax
import jax.numpy as jnp
from jax import lax
from jax.experimental import pallas as pl
from jax.experimental.pallas import tpu as pltpu
from jax.experimental.pallas import tpu_sc as plsc

_NUM_CLASSES = 128
_HIDDEN = 4096
_VOCAB = 100000
_ROWS = 256
_NW = 32
_RPW = _ROWS // _NW
_HALF = _VOCAB // 2


def _matmul_kernel(h_ref, w_ref, out_ref):
    out_ref[:, :] = jax.lax.dot_general(
        h_ref[:, :], w_ref[:, :],
        dimension_numbers=(((1,), (1,)), ((), ())),
        preferred_element_type=jnp.float32,
    )


def _sc_fill_scatter(filler_hbm, cls_hbm, idx_hbm, out_hbm,
                     filler_v, idx_v, val_v, sem, sem2):
    wid = lax.axis_index("s") * 2 + lax.axis_index("c")
    pltpu.sync_copy(filler_hbm, filler_v)
    copies = []
    for r in range(_RPW):
        row = wid * _RPW + r
        base = row * _VOCAB
        for h in range(2):
            c = pltpu.make_async_copy(
                filler_v, out_hbm.at[pl.ds(base + h * _HALF, _HALF)], sem)
            c.start()
            copies.append(c)
    for c in copies:
        c.wait()
    pltpu.sync_copy(idx_hbm.at[pl.ds(wid * _RPW, _RPW)], idx_v)
    pltpu.sync_copy(cls_hbm.at[pl.ds(wid * _RPW, _RPW)], val_v)
    for r in range(_RPW):
        c = pltpu.make_async_copy(
            val_v.at[r], out_hbm.at[idx_v.at[r]], sem2)
        c.start()
        c.wait()


def kernel(hidden_states, probe_weights, vocab_ids):
    b, s, h = hidden_states.shape
    hidden_flat = hidden_states.reshape(-1, h)

    class_logits = pl.pallas_call(
        _matmul_kernel,
        out_shape=jax.ShapeDtypeStruct((_ROWS, _NUM_CLASSES), jnp.float32),
    )(hidden_flat, probe_weights)

    filler = jnp.full((_HALF,), -jnp.inf, dtype=jnp.float32)
    flat_idx = (jnp.arange(_ROWS, dtype=jnp.int32)[:, None] * _VOCAB
                + vocab_ids[None, :])

    mesh = plsc.VectorSubcoreMesh(core_axis_name="c", subcore_axis_name="s")
    sc = pl.kernel(
        _sc_fill_scatter,
        out_type=jax.ShapeDtypeStruct((_ROWS * _VOCAB,), jnp.float32),
        mesh=mesh,
        scratch_types=[
            pltpu.VMEM((_HALF,), jnp.float32),
            pltpu.VMEM((_RPW, _NUM_CLASSES), jnp.int32),
            pltpu.VMEM((_RPW, _NUM_CLASSES), jnp.float32),
            pltpu.SemaphoreType.DMA,
            pltpu.SemaphoreType.DMA,
        ],
    )
    out = sc(filler, class_logits, flat_idx)
    return out.reshape(b, s, _VOCAB)

# --- scband reference (transcript-rebuilt; emitter-appended) ---
"""Pipeline reference for scband-probe-based-readout-84756884619800 (READ-ONLY COPY).

The authoritative reference and input builder live on the scoring server;
editing this copy changes nothing except your own understanding.
"""

import jax, jax.numpy as jnp
import numpy as np

NUM_CLASSES = 128
HIDDEN_DIM = 4096
VOCAB_SIZE = 100000
BATCH = 32
SEQ = 8


def setup_inputs(seed: int = 0) -> dict:
    key = jax.random.key(seed)
    k1, k2 = jax.random.split(key)
    hidden_states = jax.random.normal(k1, (BATCH, SEQ, HIDDEN_DIM), dtype=jnp.float32)
    probe_weights = jax.random.normal(k2, (NUM_CLASSES, HIDDEN_DIM), dtype=jnp.float32) * 0.02
    vocab_ids = (jnp.arange(NUM_CLASSES, dtype=jnp.int32) * 700).astype(jnp.int32)
    return {"hidden_states": hidden_states, "probe_weights": probe_weights, "vocab_ids": vocab_ids}


def reference(hidden_states, probe_weights, vocab_ids):
    # Faithful translation of ProbeBasedReadout.forward for 3D input.
    b, s, h = hidden_states.shape
    hidden_flat = hidden_states.reshape(-1, h)
    class_logits_flat = hidden_flat @ probe_weights.T  # linear, no bias
    class_logits = class_logits_flat.reshape(b, s, NUM_CLASSES)
    vocab_logits = jnp.full((b, s, VOCAB_SIZE), -jnp.inf, dtype=class_logits.dtype)
    # scatter-overwrite class logits into the full vocab logit tensor
    vocab_logits = vocab_logits.at[:, :, vocab_ids].set(class_logits)
    return vocab_logits

if __name__ == "__main__":
    import jax
    _d = setup_inputs()
    print(jax.jit(kernel)(*tuple(_d.values())))

</pallas_src>

<mosaic_0001>
#map = affine_map<(d0, d1) -> (0)>
#map1 = affine_map<(d0, d1) -> (0, 0)>
module attributes {stable_mosaic.version = 14 : i64} {
  func.func @_sc_fill_scatter(%arg0: i32, %arg1: i32, %arg2: memref<50000xf32, #tpu.memory_space<hbm>>, %arg3: memref<256x128xf32, #tpu.memory_space<hbm>>, %arg4: memref<256x128xi32, #tpu.memory_space<hbm>>, %arg5: memref<25600000xf32, #tpu.memory_space<hbm>>, %arg6: memref<50000xf32, #tpu.memory_space<vmem>>, %arg7: memref<8x128xi32, #tpu.memory_space<vmem>>, %arg8: memref<8x128xf32, #tpu.memory_space<vmem>>, %arg9: memref<!tpu.dma_semaphore, #tpu.memory_space<semaphore_mem>>, %arg10: memref<!tpu.dma_semaphore, #tpu.memory_space<semaphore_mem>>) attributes {dimension_semantics = [#tpu.dimension_semantics<core_parallel>, #tpu.dimension_semantics<subcore_parallel>], iteration_bounds = array<i64: 2, 16>, scalar_prefetch = 0 : i64, scratch_operands = 5 : i64, tpu.core_type = #tpu.core_type<sc_vector_subcore>, window_params = [{transform_indices = #map}, {transform_indices = #map1}, {transform_indices = #map1}, {transform_indices = #map}]} {
    %mul3A = arith.constant 2 : i32
    %mul3A_0 = arith.muli %arg1, %mul3A : i32
    %add3A = arith.addi %mul3A_0, %arg0 : i32
    "tpu.region"() ({
      %run_scoped3A = tpu.sem_alloc : memref<!tpu.dma_semaphore, #tpu.memory_space<semaphore_mem>>
      tpu.enqueue_dma source(%arg2 : memref<50000xf32, #tpu.memory_space<hbm>>) target(%arg6 : memref<50000xf32, #tpu.memory_space<vmem>>) target_semaphore(%run_scoped3A : memref<!tpu.dma_semaphore, #tpu.memory_space<semaphore_mem>>)
      tpu.wait_dma2 semaphore(%run_scoped3A : memref<!tpu.dma_semaphore, #tpu.memory_space<semaphore_mem>>) src(%arg2 : memref<50000xf32, #tpu.memory_space<hbm>>) dst(%arg6 : memref<50000xf32, #tpu.memory_space<vmem>>)
      tpu.yield
    }) : () -> ()
    %mul3A_1 = arith.constant 8 : i32
    %mul3A_2 = arith.muli %add3A, %mul3A_1 : i32
    %add3A_3 = arith.constant 0 : i32
    %add3A_4 = arith.addi %mul3A_2, %add3A_3 : i32
    %mul3A_5 = arith.constant 100000 : i32
    %mul3A_6 = arith.muli %add3A_4, %mul3A_5 : i32
    %add3A_7 = arith.constant 0 : i32
    %add3A_8 = arith.addi %mul3A_6, %add3A_7 : i32
    %dma_start3A = tpu.memref_slice %arg5[%add3A_8] : memref<25600000xf32, #tpu.memory_space<hbm>> -> memref<50000xf32, #tpu.memory_space<hbm>>
    %dma_start3A_9 = tpu.memref_slice %arg5[%add3A_8] : memref<25600000xf32, #tpu.memory_space<hbm>> -> memref<50000xf32, #tpu.memory_space<hbm>>
    tpu.enqueue_dma source(%arg6 : memref<50000xf32, #tpu.memory_space<vmem>>) target(%dma_start3A_9 : memref<50000xf32, #tpu.memory_space<hbm>>) target_semaphore(%arg9 : memref<!tpu.dma_semaphore, #tpu.memory_space<semaphore_mem>>)
    %add3A_10 = arith.constant 50000 : i32
    %add3A_11 = arith.addi %mul3A_6, %add3A_10 : i32
    %dma_start3A_12 = tpu.memref_slice %arg5[%add3A_11] : memref<25600000xf32, #tpu.memory_space<hbm>> -> memref<50000xf32, #tpu.memory_space<hbm>>
    %dma_start3A_13 = tpu.memref_slice %arg5[%add3A_11] : memref<25600000xf32, #tpu.memory_space<hbm>> -> memref<50000xf32, #tpu.memory_space<hbm>>
    tpu.enqueue_dma source(%arg6 : memref<50000xf32, #tpu.memory_space<vmem>>) target(%dma_start3A_13 : memref<50000xf32, #tpu.memory_space<hbm>>) target_semaphore(%arg9 : memref<!tpu.dma_semaphore, #tpu.memory_space<semaphore_mem>>)
    %mul3A_14 = arith.constant 8 : i32
    %mul3A_15 = arith.muli %add3A, %mul3A_14 : i32
    %add3A_16 = arith.constant 1 : i32
    %add3A_17 = arith.addi %mul3A_15, %add3A_16 : i32
    %mul3A_18 = arith.constant 100000 : i32
    %mul3A_19 = arith.muli %add3A_17, %mul3A_18 : i32
    %add3A_20 = arith.constant 0 : i32
    %add3A_21 = arith.addi %mul3A_19, %add3A_20 : i32
    %dma_start3A_22 = tpu.memref_slice %arg5[%add3A_21] : memref<25600000xf32, #tpu.memory_space<hbm>> -> memref<50000xf32, #tpu.memory_space<hbm>>
    %dma_start3A_23 = tpu.memref_slice %arg5[%add3A_21] : memref<25600000xf32, #tpu.memory_space<hbm>> -> memref<50000xf32, #tpu.memory_space<hbm>>
    tpu.enqueue_dma source(%arg6 : memref<50000xf32, #tpu.memory_space<vmem>>) target(%dma_start3A_23 : memref<50000xf32, #tpu.memory_space<hbm>>) target_semaphore(%arg9 : memref<!tpu.dma_semaphore, #tpu.memory_space<semaphore_mem>>)
    %add3A_24 = arith.constant 50000 : i32
    %add3A_25 = arith.addi %mul3A_19, %add3A_24 : i32
    %dma_start3A_26 = tpu.memref_slice %arg5[%add3A_25] : memref<25600000xf32, #tpu.memory_space<hbm>> -> memref<50000xf32, #tpu.memory_space<hbm>>
    %dma_start3A_27 = tpu.memref_slice %arg5[%add3A_25] : memref<25600000xf32, #tpu.memory_space<hbm>> -> memref<50000xf32, #tpu.memory_space<hbm>>
    tpu.enqueue_dma source(%arg6 : memref<50000xf32, #tpu.memory_space<vmem>>) target(%dma_start3A_27 : memref<50000xf32, #tpu.memory_space<hbm>>) target_semaphore(%arg9 : memref<!tpu.dma_semaphore, #tpu.memory_space<semaphore_mem>>)
    %mul3A_28 = arith.constant 8 : i32
    %mul3A_29 = arith.muli %add3A, %mul3A_28 : i32
    %add3A_30 = arith.constant 2 : i32
    %add3A_31 = arith.addi %mul3A_29, %add3A_30 : i32
    %mul3A_32 = arith.constant 100000 : i32
    %mul3A_33 = arith.muli %add3A_31, %mul3A_32 : i32
    %add3A_34 = arith.constant 0 : i32
    %add3A_35 = arith.addi %mul3A_33, %add3A_34 : i32
    %dma_start3A_36 = tpu.memref_slice %arg5[%add3A_35] : memref<25600000xf32, #tpu.memory_space<hbm>> -> memref<50000xf32, #tpu.memory_space<hbm>>
    %dma_start3A_37 = tpu.memref_slice %arg5[%add3A_35] : memref<25600000xf32, #tpu.memory_space<hbm>> -> memref<50000xf32, #tpu.memory_space<hbm>>
    tpu.enqueue_dma source(%arg6 : memref<50000xf32, #tpu.memory_space<vmem>>) target(%dma_start3A_37 : memref<50000xf32, #tpu.memory_space<hbm>>) target_semaphore(%arg9 : memref<!tpu.dma_semaphore, #tpu.memory_space<semaphore_mem>>)
    %add3A_38 = arith.constant 50000 : i32
    %add3A_39 = arith.addi %mul3A_33, %add3A_38 : i32
    %dma_start3A_40 = tpu.memref_slice %arg5[%add3A_39] : memref<25600000xf32, #tpu.memory_space<hbm>> -> memref<50000xf32, #tpu.memory_space<hbm>>
    %dma_start3A_41 = tpu.memref_slice %arg5[%add3A_39] : memref<25600000xf32, #tpu.memory_space<hbm>> -> memref<50000xf32, #tpu.memory_space<hbm>>
    tpu.enqueue_dma source(%arg6 : memref<50000xf32, #tpu.memory_space<vmem>>) target(%dma_start3A_41 : memref<50000xf32, #tpu.memory_space<hbm>>) target_semaphore(%arg9 : memref<!tpu.dma_semaphore, #tpu.memory_space<semaphore_mem>>)
    %mul3A_42 = arith.constant 8 : i32
    %mul3A_43 = arith.muli %add3A, %mul3A_42 : i32
    %add3A_44 = arith.constant 3 : i32
    %add3A_45 = arith.addi %mul3A_43, %add3A_44 : i32
    %mul3A_46 = arith.constant 100000 : i32
    %mul3A_47 = arith.muli %add3A_45, %mul3A_46 : i32
    %add3A_48 = arith.constant 0 : i32
    %add3A_49 = arith.addi %mul3A_47, %add3A_48 : i32
    %dma_start3A_50 = tpu.memref_slice %arg5[%add3A_49] : memref<25600000xf32, #tpu.memory_space<hbm>> -> memref<50000xf32, #tpu.memory_space<hbm>>
    %dma_start3A_51 = tpu.memref_slice %arg5[%add3A_49] : memref<25600000xf32, #tpu.memory_space<hbm>> -> memref<50000xf32, #tpu.memory_space<hbm>>
    tpu.enqueue_dma source(%arg6 : memref<50000xf32, #tpu.memory_space<vmem>>) target(%dma_start3A_51 : memref<50000xf32, #tpu.memory_space<hbm>>) target_semaphore(%arg9 : memref<!tpu.dma_semaphore, #tpu.memory_space<semaphore_mem>>)
    %add3A_52 = arith.constant 50000 : i32
    %add3A_53 = arith.addi %mul3A_47, %add3A_52 : i32
    %dma_start3A_54 = tpu.memref_slice %arg5[%add3A_53] : memref<25600000xf32, #tpu.memory_space<hbm>> -> memref<50000xf32, #tpu.memory_space<hbm>>
    %dma_start3A_55 = tpu.memref_slice %arg5[%add3A_53] : memref<25600000xf32, #tpu.memory_space<hbm>> -> memref<50000xf32, #tpu.memory_space<hbm>>
    tpu.enqueue_dma source(%arg6 : memref<50000xf32, #tpu.memory_space<vmem>>) target(%dma_start3A_55 : memref<50000xf32, #tpu.memory_space<hbm>>) target_semaphore(%arg9 : memref<!tpu.dma_semaphore, #tpu.memory_space<semaphore_mem>>)
    %mul3A_56 = arith.constant 8 : i32
    %mul3A_57 = arith.muli %add3A, %mul3A_56 : i32
    %add3A_58 = arith.constant 4 : i32
    %add3A_59 = arith.addi %mul3A_57, %add3A_58 : i32
    %mul3A_60 = arith.constant 100000 : i32
    %mul3A_61 = arith.muli %add3A_59, %mul3A_60 : i32
    %add3A_62 = arith.constant 0 : i32
    %add3A_63 = arith.addi %mul3A_61, %add3A_62 : i32
    %dma_start3A_64 = tpu.memref_slice %arg5[%add3A_63] : memref<25600000xf32, #tpu.memory_space<hbm>> -> memref<50000xf32, #tpu.memory_space<hbm>>
    %dma_start3A_65 = tpu.memref_slice %arg5[%add3A_63] : memref<25600000xf32, #tpu.memory_space<hbm>> -> memref<50000xf32, #tpu.memory_space<hbm>>
    tpu.enqueue_dma source(%arg6 : memref<50000xf32, #tpu.memory_space<vmem>>) target(%dma_start3A_65 : memref<50000xf32, #tpu.memory_space<hbm>>) target_semaphore(%arg9 : memref<!tpu.dma_semaphore, #tpu.memory_space<semaphore_mem>>)
    %add3A_66 = arith.constant 50000 : i32
    %add3A_67 = arith.addi %mul3A_61, %add3A_66 : i32
    %dma_start3A_68 = tpu.memref_slice %arg5[%add3A_67] : memref<25600000xf32, #tpu.memory_space<hbm>> -> memref<50000xf32, #tpu.memory_space<hbm>>
    %dma_start3A_69 = tpu.memref_slice %arg5[%add3A_67] : memref<25600000xf32, #tpu.memory_space<hbm>> -> memref<50000xf32, #tpu.memory_space<hbm>>
    tpu.enqueue_dma source(%arg6 : memref<50000xf32, #tpu.memory_space<vmem>>) target(%dma_start3A_69 : memref<50000xf32, #tpu.memory_space<hbm>>) target_semaphore(%arg9 : memref<!tpu.dma_semaphore, #tpu.memory_space<semaphore_mem>>)
    %mul3A_70 = arith.constant 8 : i32
    %mul3A_71 = arith.muli %add3A, %mul3A_70 : i32
    %add3A_72 = arith.constant 5 : i32
    %add3A_73 = arith.addi %mul3A_71, %add3A_72 : i32
    %mul3A_74 = arith.constant 100000 : i32
    %mul3A_75 = arith.muli %add3A_73, %mul3A_74 : i32
    %add3A_76 = arith.constant 0 : i32
    %add3A_77 = arith.addi %mul3A_75, %add3A_76 : i32
    %dma_start3A_78 = tpu.memref_slice %arg5[%add3A_77] : memref<25600000xf32, #tpu.memory_space<hbm>> -> memref<50000xf32, #tpu.memory_space<hbm>>
    %dma_start3A_79 = tpu.memref_slice %arg5[%add3A_77] : memref<25600000xf32, #tpu.memory_space<hbm>> -> memref<50000xf32, #tpu.memory_space<hbm>>
    tpu.enqueue_dma source(%arg6 : memref<50000xf32, #tpu.memory_space<vmem>>) target(%dma_start3A_79 : memref<50000xf32, #tpu.memory_space<hbm>>) target_semaphore(%arg9 : memref<!tpu.dma_semaphore, #tpu.memory_space<semaphore_mem>>)
    %add3A_80 = arith.constant 50000 : i32
    %add3A_81 = arith.addi %mul3A_75, %add3A_80 : i32
    %dma_start3A_82 = tpu.memref_slice %arg5[%add3A_81] : memref<25600000xf32, #tpu.memory_space<hbm>> -> memref<50000xf32, #tpu.memory_space<hbm>>
    %dma_start3A_83 = tpu.memref_slice %arg5[%add3A_81] : memref<25600000xf32, #tpu.memory_space<hbm>> -> memref<50000xf32, #tpu.memory_space<hbm>>
    tpu.enqueue_dma source(%arg6 : memref<50000xf32, #tpu.memory_space<vmem>>) target(%dma_start3A_83 : memref<50000xf32, #tpu.memory_space<hbm>>) target_semaphore(%arg9 : memref<!tpu.dma_semaphore, #tpu.memory_space<semaphore_mem>>)
    %mul3A_84 = arith.constant 8 : i32
    %mul3A_85 = arith.muli %add3A, %mul3A_84 : i32
    %add3A_86 = arith.constant 6 : i32
    %add3A_87 = arith.addi %mul3A_85, %add3A_86 : i32
    %mul3A_88 = arith.constant 100000 : i32
    %mul3A_89 = arith.muli %add3A_87, %mul3A_88 : i32
    %add3A_90 = arith.constant 0 : i32
    %add3A_91 = arith.addi %mul3A_89, %add3A_90 : i32
    %dma_start3A_92 = tpu.memref_slice %arg5[%add3A_91] : memref<25600000xf32, #tpu.memory_space<hbm>> -> memref<50000xf32, #tpu.memory_space<hbm>>
    %dma_start3A_93 = tpu.memref_slice %arg5[%add3A_91] : memref<25600000xf32, #tpu.memory_space<hbm>> -> memref<50000xf32, #tpu.memory_space<hbm>>
    tpu.enqueue_dma source(%arg6 : memref<50000xf32, #tpu.memory_space<vmem>>) target(%dma_start3A_93 : memref<50000xf32, #tpu.memory_space<hbm>>) target_semaphore(%arg9 : memref<!tpu.dma_semaphore, #tpu.memory_space<semaphore_mem>>)
    %add3A_94 = arith.constant 50000 : i32
    %add3A_95 = arith.addi %mul3A_89, %add3A_94 : i32
    %dma_start3A_96 = tpu.memref_slice %arg5[%add3A_95] : memref<25600000xf32, #tpu.memory_space<hbm>> -> memref<50000xf32, #tpu.memory_space<hbm>>
    %dma_start3A_97 = tpu.memref_slice %arg5[%add3A_95] : memref<25600000xf32, #tpu.memory_space<hbm>> -> memref<50000xf32, #tpu.memory_space<hbm>>
    tpu.enqueue_dma source(%arg6 : memref<50000xf32, #tpu.memory_space<vmem>>) target(%dma_start3A_97 : memref<50000xf32, #tpu.memory_space<hbm>>) target_semaphore(%arg9 : memref<!tpu.dma_semaphore, #tpu.memory_space<semaphore_mem>>)
    %mul3A_98 = arith.constant 8 : i32
    %mul3A_99 = arith.muli %add3A, %mul3A_98 : i32
    %add3A_100 = arith.constant 7 : i32
    %add3A_101 = arith.addi %mul3A_99, %add3A_100 : i32
    %mul3A_102 = arith.constant 100000 : i32
    %mul3A_103 = arith.muli %add3A_101, %mul3A_102 : i32
    %add3A_104 = arith.constant 0 : i32
    %add3A_105 = arith.addi %mul3A_103, %add3A_104 : i32
    %dma_start3A_106 = tpu.memref_slice %arg5[%add3A_105] : memref<25600000xf32, #tpu.memory_space<hbm>> -> memref<50000xf32, #tpu.memory_space<hbm>>
    %dma_start3A_107 = tpu.memref_slice %arg5[%add3A_105] : memref<25600000xf32, #tpu.memory_space<hbm>> -> memref<50000xf32, #tpu.memory_space<hbm>>
    tpu.enqueue_dma source(%arg6 : memref<50000xf32, #tpu.memory_space<vmem>>) target(%dma_start3A_107 : memref<50000xf32, #tpu.memory_space<hbm>>) target_semaphore(%arg9 : memref<!tpu.dma_semaphore, #tpu.memory_space<semaphore_mem>>)
    %add3A_108 = arith.constant 50000 : i32
    %add3A_109 = arith.addi %mul3A_103, %add3A_108 : i32
    %dma_start3A_110 = tpu.memref_slice %arg5[%add3A_109] : memref<25600000xf32, #tpu.memory_space<hbm>> -> memref<50000xf32, #tpu.memory_space<hbm>>
    %dma_start3A_111 = tpu.memref_slice %arg5[%add3A_109] : memref<25600000xf32, #tpu.memory_space<hbm>> -> memref<50000xf32, #tpu.memory_space<hbm>>
    tpu.enqueue_dma source(%arg6 : memref<50000xf32, #tpu.memory_space<vmem>>) target(%dma_start3A_111 : memref<50000xf32, #tpu.memory_space<hbm>>) target_semaphore(%arg9 : memref<!tpu.dma_semaphore, #tpu.memory_space<semaphore_mem>>)
    %dma_wait3A = tpu.memref_slice %arg5[%add3A_8] : memref<25600000xf32, #tpu.memory_space<hbm>> -> memref<50000xf32, #tpu.memory_space<hbm>>
    %dma_wait3A_112 = tpu.memref_slice %arg5[%add3A_8] : memref<25600000xf32, #tpu.memory_space<hbm>> -> memref<50000xf32, #tpu.memory_space<hbm>>
    tpu.wait_dma2 semaphore(%arg9 : memref<!tpu.dma_semaphore, #tpu.memory_space<semaphore_mem>>) src(%arg6 : memref<50000xf32, #tpu.memory_space<vmem>>) dst(%dma_wait3A_112 : memref<50000xf32, #tpu.memory_space<hbm>>)
    %dma_wait3A_113 = tpu.memref_slice %arg5[%add3A_11] : memref<25600000xf32, #tpu.memory_space<hbm>> -> memref<50000xf32, #tpu.memory_space<hbm>>
    %dma_wait3A_114 = tpu.memref_slice %arg5[%add3A_11] : memref<25600000xf32, #tpu.memory_space<hbm>> -> memref<50000xf32, #tpu.memory_space<hbm>>
    tpu.wait_dma2 semaphore(%arg9 : memref<!tpu.dma_semaphore, #tpu.memory_space<semaphore_mem>>) src(%arg6 : memref<50000xf32, #tpu.memory_space<vmem>>) dst(%dma_wait3A_114 : memref<50000xf32, #tpu.memory_space<hbm>>)
    %dma_wait3A_115 = tpu.memref_slice %arg5[%add3A_21] : memref<25600000xf32, #tpu.memory_space<hbm>> -> memref<50000xf32, #tpu.memory_space<hbm>>
    %dma_wait3A_116 = tpu.memref_slice %arg5[%add3A_21] : memref<25600000xf32, #tpu.memory_space<hbm>> -> memref<50000xf32, #tpu.memory_space<hbm>>
    tpu.wait_dma2 semaphore(%arg9 : memref<!tpu.dma_semaphore, #tpu.memory_space<semaphore_mem>>) src(%arg6 : memref<50000xf32, #tpu.memory_space<vmem>>) dst(%dma_wait3A_116 : memref<50000xf32, #tpu.memory_space<hbm>>)
    %dma_wait3A_117 = tpu.memref_slice %arg5[%add3A_25] : memref<25600000xf32, #tpu.memory_space<hbm>> -> memref<50000xf32, #tpu.memory_space<hbm>>
    %dma_wait3A_118 = tpu.memref_slice %arg5[%add3A_25] : memref<25600000xf32, #tpu.memory_space<hbm>> -> memref<50000xf32, #tpu.memory_space<hbm>>
    tpu.wait_dma2 semaphore(%arg9 : memref<!tpu.dma_semaphore, #tpu.memory_space<semaphore_mem>>) src(%arg6 : memref<50000xf32, #tpu.memory_space<vmem>>) dst(%dma_wait3A_118 : memref<50000xf32, #tpu.memory_space<hbm>>)
    %dma_wait3A_119 = tpu.memref_slice %arg5[%add3A_35] : memref<25600000xf32, #tpu.memory_space<hbm>> -> memref<50000xf32, #tpu.memory_space<hbm>>
    %dma_wait3A_120 = tpu.memref_slice %arg5[%add3A_35] : memref<25600000xf32, #tpu.memory_space<hbm>> -> memref<50000xf32, #tpu.memory_space<hbm>>
    tpu.wait_dma2 semaphore(%arg9 : memref<!tpu.dma_semaphore, #tpu.memory_space<semaphore_mem>>) src(%arg6 : memref<50000xf32, #tpu.memory_space<vmem>>) dst(%dma_wait3A_120 : memref<50000xf32, #tpu.memory_space<hbm>>)
    %dma_wait3A_121 = tpu.memref_slice %arg5[%add3A_39] : memref<25600000xf32, #tpu.memory_space<hbm>> -> memref<50000xf32, #tpu.memory_space<hbm>>
    %dma_wait3A_122 = tpu.memref_slice %arg5[%add3A_39] : memref<25600000xf32, #tpu.memory_space<hbm>> -> memref<50000xf32, #tpu.memory_space<hbm>>
    tpu.wait_dma2 semaphore(%arg9 : memref<!tpu.dma_semaphore, #tpu.memory_space<semaphore_mem>>) src(%arg6 : memref<50000xf32, #tpu.memory_space<vmem>>) dst(%dma_wait3A_122 : memref<50000xf32, #tpu.memory_space<hbm>>)
    %dma_wait3A_123 = tpu.memref_slice %arg5[%add3A_49] : memref<25600000xf32, #tpu.memory_space<hbm>> -> memref<50000xf32, #tpu.memory_space<hbm>>
    %dma_wait3A_124 = tpu.memref_slice %arg5[%add3A_49] : memref<25600000xf32, #tpu.memory_space<hbm>> -> memref<50000xf32, #tpu.memory_space<hbm>>
    tpu.wait_dma2 semaphore(%arg9 : memref<!tpu.dma_semaphore, #tpu.memory_space<semaphore_mem>>) src(%arg6 : memref<50000xf32, #tpu.memory_space<vmem>>) dst(%dma_wait3A_124 : memref<50000xf32, #tpu.memory_space<hbm>>)
    %dma_wait3A_125 = tpu.memref_slice %arg5[%add3A_53] : memref<25600000xf32, #tpu.memory_space<hbm>> -> memref<50000xf32, #tpu.memory_space<hbm>>
    %dma_wait3A_126 = tpu.memref_slice %arg5[%add3A_53] : memref<25600000xf32, #tpu.memory_space<hbm>> -> memref<50000xf32, #tpu.memory_space<hbm>>
    tpu.wait_dma2 semaphore(%arg9 : memref<!tpu.dma_semaphore, #tpu.memory_space<semaphore_mem>>) src(%arg6 : memref<50000xf32, #tpu.memory_space<vmem>>) dst(%dma_wait3A_126 : memref<50000xf32, #tpu.memory_space<hbm>>)
    %dma_wait3A_127 = tpu.memref_slice %arg5[%add3A_63] : memref<25600000xf32, #tpu.memory_space<hbm>> -> memref<50000xf32, #tpu.memory_space<hbm>>
    %dma_wait3A_128 = tpu.memref_slice %arg5[%add3A_63] : memref<25600000xf32, #tpu.memory_space<hbm>> -> memref<50000xf32, #tpu.memory_space<hbm>>
    tpu.wait_dma2 semaphore(%arg9 : memref<!tpu.dma_semaphore, #tpu.memory_space<semaphore_mem>>) src(%arg6 : memref<50000xf32, #tpu.memory_space<vmem>>) dst(%dma_wait3A_128 : memref<50000xf32, #tpu.memory_space<hbm>>)
    %dma_wait3A_129 = tpu.memref_slice %arg5[%add3A_67] : memref<25600000xf32, #tpu.memory_space<hbm>> -> memref<50000xf32, #tpu.memory_space<hbm>>
    %dma_wait3A_130 = tpu.memref_slice %arg5[%add3A_67] : memref<25600000xf32, #tpu.memory_space<hbm>> -> memref<50000xf32, #tpu.memory_space<hbm>>
    tpu.wait_dma2 semaphore(%arg9 : memref<!tpu.dma_semaphore, #tpu.memory_space<semaphore_mem>>) src(%arg6 : memref<50000xf32, #tpu.memory_space<vmem>>) dst(%dma_wait3A_130 : memref<50000xf32, #tpu.memory_space<hbm>>)
    %dma_wait3A_131 = tpu.memref_slice %arg5[%add3A_77] : memref<25600000xf32, #tpu.memory_space<hbm>> -> memref<50000xf32, #tpu.memory_space<hbm>>
    %dma_wait3A_132 = tpu.memref_slice %arg5[%add3A_77] : memref<25600000xf32, #tpu.memory_space<hbm>> -> memref<50000xf32, #tpu.memory_space<hbm>>
    tpu.wait_dma2 semaphore(%arg9 : memref<!tpu.dma_semaphore, #tpu.memory_space<semaphore_mem>>) src(%arg6 : memref<50000xf32, #tpu.memory_space<vmem>>) dst(%dma_wait3A_132 : memref<50000xf32, #tpu.memory_space<hbm>>)
    %dma_wait3A_133 = tpu.memref_slice %arg5[%add3A_81] : memref<25600000xf32, #tpu.memory_space<hbm>> -> memref<50000xf32, #tpu.memory_space<hbm>>
    %dma_wait3A_134 = tpu.memref_slice %arg5[%add3A_81] : memref<25600000xf32, #tpu.memory_space<hbm>> -> memref<50000xf32, #tpu.memory_space<hbm>>
    tpu.wait_dma2 semaphore(%arg9 : memref<!tpu.dma_semaphore, #tpu.memory_space<semaphore_mem>>) src(%arg6 : memref<50000xf32, #tpu.memory_space<vmem>>) dst(%dma_wait3A_134 : memref<50000xf32, #tpu.memory_space<hbm>>)
    %dma_wait3A_135 = tpu.memref_slice %arg5[%add3A_91] : memref<25600000xf32, #tpu.memory_space<hbm>> -> memref<50000xf32, #tpu.memory_space<hbm>>
    %dma_wait3A_136 = tpu.memref_slice %arg5[%add3A_91] : memref<25600000xf32, #tpu.memory_space<hbm>> -> memref<50000xf32, #tpu.memory_space<hbm>>
    tpu.wait_dma2 semaphore(%arg9 : memref<!tpu.dma_semaphore, #tpu.memory_space<semaphore_mem>>) src(%arg6 : memref<50000xf32, #tpu.memory_space<vmem>>) dst(%dma_wait3A_136 : memref<50000xf32, #tpu.memory_space<hbm>>)
    %dma_wait3A_137 = tpu.memref_slice %arg5[%add3A_95] : memref<25600000xf32, #tpu.memory_space<hbm>> -> memref<50000xf32, #tpu.memory_space<hbm>>
    %dma_wait3A_138 = tpu.memref_slice %arg5[%add3A_95] : memref<25600000xf32, #tpu.memory_space<hbm>> -> memref<50000xf32, #tpu.memory_space<hbm>>
    tpu.wait_dma2 semaphore(%arg9 : memref<!tpu.dma_semaphore, #tpu.memory_space<semaphore_mem>>) src(%arg6 : memref<50000xf32, #tpu.memory_space<vmem>>) dst(%dma_wait3A_138 : memref<50000xf32, #tpu.memory_space<hbm>>)
    %dma_wait3A_139 = tpu.memref_slice %arg5[%add3A_105] : memref<25600000xf32, #tpu.memory_space<hbm>> -> memref<50000xf32, #tpu.memory_space<hbm>>
    %dma_wait3A_140 = tpu.memref_slice %arg5[%add3A_105] : memref<25600000xf32, #tpu.memory_space<hbm>> -> memref<50000xf32, #tpu.memory_space<hbm>>
    tpu.wait_dma2 semaphore(%arg9 : memref<!tpu.dma_semaphore, #tpu.memory_space<semaphore_mem>>) src(%arg6 : memref<50000xf32, #tpu.memory_space<vmem>>) dst(%dma_wait3A_140 : memref<50000xf32, #tpu.memory_space<hbm>>)
    %dma_wait3A_141 = tpu.memref_slice %arg5[%add3A_109] : memref<25600000xf32, #tpu.memory_space<hbm>> -> memref<50000xf32, #tpu.memory_space<hbm>>
    %dma_wait3A_142 = tpu.memref_slice %arg5[%add3A_109] : memref<25600000xf32, #tpu.memory_space<hbm>> -> memref<50000xf32, #tpu.memory_space<hbm>>
    tpu.wait_dma2 semaphore(%arg9 : memref<!tpu.dma_semaphore, #tpu.memory_space<semaphore_mem>>) src(%arg6 : memref<50000xf32, #tpu.memory_space<vmem>>) dst(%dma_wait3A_142 : memref<50000xf32, #tpu.memory_space<hbm>>)
    %mul3A_143 = arith.constant 8 : i32
    %mul3A_144 = arith.muli %add3A, %mul3A_143 : i32
    "tpu.region"() ({
      %run_scoped3A = tpu.sem_alloc : memref<!tpu.dma_semaphore, #tpu.memory_space<semaphore_mem>>
      %dma_start3A_307 = arith.constant 0 : i32
      %dma_start3A_308 = tpu.memref_slice %arg4[%mul3A_144, %dma_start3A_307] : memref<256x128xi32, #tpu.memory_space<hbm>> -> memref<8x128xi32, #tpu.memory_space<hbm>>
      %dma_start3A_309 = arith.constant 0 : i32
      %dma_start3A_310 = tpu.memref_slice %arg4[%mul3A_144, %dma_start3A_309] : memref<256x128xi32, #tpu.memory_space<hbm>> -> memref<8x128xi32, #tpu.memory_space<hbm>>
      tpu.enqueue_dma source(%dma_start3A_310 : memref<8x128xi32, #tpu.memory_space<hbm>>) target(%arg7 : memref<8x128xi32, #tpu.memory_space<vmem>>) target_semaphore(%run_scoped3A : memref<!tpu.dma_semaphore, #tpu.memory_space<semaphore_mem>>)
      %dma_wait3A_311 = arith.constant 0 : i32
      %dma_wait3A_312 = tpu.memref_slice %arg4[%mul3A_144, %dma_wait3A_311] : memref<256x128xi32, #tpu.memory_space<hbm>> -> memref<8x128xi32, #tpu.memory_space<hbm>>
      %dma_wait3A_313 = arith.constant 0 : i32
      %dma_wait3A_314 = tpu.memref_slice %arg4[%mul3A_144, %dma_wait3A_313] : memref<256x128xi32, #tpu.memory_space<hbm>> -> memref<8x128xi32, #tpu.memory_space<hbm>>
      tpu.wait_dma2 semaphore(%run_scoped3A : memref<!tpu.dma_semaphore, #tpu.memory_space<semaphore_mem>>) src(%dma_wait3A_314 : memref<8x128xi32, #tpu.memory_space<hbm>>) dst(%arg7 : memref<8x128xi32, #tpu.memory_space<vmem>>)
      tpu.yield
    }) : () -> ()
    %mul3A_145 = arith.constant 8 : i32
    %mul3A_146 = arith.muli %add3A, %mul3A_145 : i32
    "tpu.region"() ({
      %run_scoped3A = tpu.sem_alloc : memref<!tpu.dma_semaphore, #tpu.memory_space<semaphore_mem>>
      %dma_start3A_307 = arith.constant 0 : i32
      %dma_start3A_308 = tpu.memref_slice %arg3[%mul3A_146, %dma_start3A_307] : memref<256x128xf32, #tpu.memory_space<hbm>> -> memref<8x128xf32, #tpu.memory_space<hbm>>
      %dma_start3A_309 = arith.constant 0 : i32
      %dma_start3A_310 = tpu.memref_slice %arg3[%mul3A_146, %dma_start3A_309] : memref<256x128xf32, #tpu.memory_space<hbm>> -> memref<8x128xf32, #tpu.memory_space<hbm>>
      tpu.enqueue_dma source(%dma_start3A_310 : memref<8x128xf32, #tpu.memory_space<hbm>>) target(%arg8 : memref<8x128xf32, #tpu.memory_space<vmem>>) target_semaphore(%run_scoped3A : memref<!tpu.dma_semaphore, #tpu.memory_space<semaphore_mem>>)
      %dma_wait3A_311 = arith.constant 0 : i32
      %dma_wait3A_312 = tpu.memref_slice %arg3[%mul3A_146, %dma_wait3A_311] : memref<256x128xf32, #tpu.memory_space<hbm>> -> memref<8x128xf32, #tpu.memory_space<hbm>>
      %dma_wait3A_313 = arith.constant 0 : i32
      %dma_wait3A_314 = tpu.memref_slice %arg3[%mul3A_146, %dma_wait3A_313] : memref<256x128xf32, #tpu.memory_space<hbm>> -> memref<8x128xf32, #tpu.memory_space<hbm>>
      tpu.wait_dma2 semaphore(%run_scoped3A : memref<!tpu.dma_semaphore, #tpu.memory_space<semaphore_mem>>) src(%dma_wait3A_314 : memref<8x128xf32, #tpu.memory_space<hbm>>) dst(%arg8 : memref<8x128xf32, #tpu.memory_space<vmem>>)
      tpu.yield
    }) : () -> ()
    %dma_start3A_147 = arith.constant 0 : i32
    %dma_start3A_148 = arith.constant 0 : i32
    %dma_start3A_149 = arith.constant 0 : i32
    %dma_start3A_150 = tpu.memref_slice %arg8[%dma_start3A_147, %dma_start3A_149] : memref<8x128xf32, #tpu.memory_space<vmem>> -> memref<1x128xf32, #tpu.memory_space<vmem>>
    %dma_start3A_151 = tpu.memref_squeeze %dma_start3A_150 : memref<1x128xf32, #tpu.memory_space<vmem>> -> memref<128xf32, #tpu.memory_space<vmem>>
    %dma_start3A_152 = arith.constant 0 : i32
    %dma_start3A_153 = tpu.memref_slice %arg7[%dma_start3A_148, %dma_start3A_152] : memref<8x128xi32, #tpu.memory_space<vmem>> -> memref<1x128xi32, #tpu.memory_space<vmem>>
    %dma_start3A_154 = tpu.memref_squeeze %dma_start3A_153 : memref<1x128xi32, #tpu.memory_space<vmem>> -> memref<128xi32, #tpu.memory_space<vmem>>
    %dma_start3A_155 = arith.constant 0 : i32
    %dma_start3A_156 = tpu.memref_slice %arg5[%dma_start3A_155] : memref<25600000xf32, #tpu.memory_space<hbm>> -> memref<25600000xf32, #tpu.memory_space<hbm>>
    tpu.enqueue_indirect_dma source(%dma_start3A_151 : memref<128xf32, #tpu.memory_space<vmem>>) target(%dma_start3A_156 : memref<25600000xf32, #tpu.memory_space<hbm>>) offsets(%dma_start3A_154 : memref<128xi32, #tpu.memory_space<vmem>>) semaphore(%arg10 : memref<!tpu.dma_semaphore, #tpu.memory_space<semaphore_mem>>)
    %dma_wait3A_157 = arith.constant 0 : i32
    %dma_wait3A_158 = arith.constant 0 : i32
    %dma_wait3A_159 = arith.constant 0 : i32
    %dma_wait3A_160 = tpu.memref_slice %arg8[%dma_wait3A_157, %dma_wait3A_159] : memref<8x128xf32, #tpu.memory_space<vmem>> -> memref<1x128xf32, #tpu.memory_space<vmem>>
    %dma_wait3A_161 = tpu.memref_squeeze %dma_wait3A_160 : memref<1x128xf32, #tpu.memory_space<vmem>> -> memref<128xf32, #tpu.memory_space<vmem>>
    %dma_wait3A_162 = arith.constant 0 : i32
    %dma_wait3A_163 = tpu.memref_slice %arg7[%dma_wait3A_158, %dma_wait3A_162] : memref<8x128xi32, #tpu.memory_space<vmem>> -> memref<1x128xi32, #tpu.memory_space<vmem>>
    %dma_wait3A_164 = tpu.memref_squeeze %dma_wait3A_163 : memref<1x128xi32, #tpu.memory_space<vmem>> -> memref<128xi32, #tpu.memory_space<vmem>>
    %dma_wait3A_165 = arith.constant 0 : i32
    %dma_wait3A_166 = tpu.memref_slice %arg5[%dma_wait3A_165] : memref<25600000xf32, #tpu.memory_space<hbm>> -> memref<25600000xf32, #tpu.memory_space<hbm>>
    tpu.wait_indirect_dma semaphore(%arg10 : memref<!tpu.dma_semaphore, #tpu.memory_space<semaphore_mem>>) src(%dma_wait3A_161 : memref<128xf32, #tpu.memory_space<vmem>>) dst(%dma_wait3A_166 : memref<25600000xf32, #tpu.memory_space<hbm>>)
    %dma_start3A_167 = arith.constant 1 : i32
    %dma_start3A_168 = arith.constant 1 : i32
    %dma_start3A_169 = arith.constant 0 : i32
    %dma_start3A_170 = tpu.memref_slice %arg8[%dma_start3A_167, %dma_start3A_169] : memref<8x128xf32, #tpu.memory_space<vmem>> -> memref<1x128xf32, #tpu.memory_space<vmem>>
    %dma_start3A_171 = tpu.memref_squeeze %dma_start3A_170 : memref<1x128xf32, #tpu.memory_space<vmem>> -> memref<128xf32, #tpu.memory_space<vmem>>
    %dma_start3A_172 = arith.constant 0 : i32
    %dma_start3A_173 = tpu.memref_slice %arg7[%dma_start3A_168, %dma_start3A_172] : memref<8x128xi32, #tpu.memory_space<vmem>> -> memref<1x128xi32, #tpu.memory_space<vmem>>
    %dma_start3A_174 = tpu.memref_squeeze %dma_start3A_173 : memref<1x128xi32, #tpu.memory_space<vmem>> -> memref<128xi32, #tpu.memory_space<vmem>>
    %dma_start3A_175 = arith.constant 0 : i32
    %dma_start3A_176 = tpu.memref_slice %arg5[%dma_start3A_175] : memref<25600000xf32, #tpu.memory_space<hbm>> -> memref<25600000xf32, #tpu.memory_space<hbm>>
    tpu.enqueue_indirect_dma source(%dma_start3A_171 : memref<128xf32, #tpu.memory_space<vmem>>) target(%dma_start3A_176 : memref<25600000xf32, #tpu.memory_space<hbm>>) offsets(%dma_start3A_174 : memref<128xi32, #tpu.memory_space<vmem>>) semaphore(%arg10 : memref<!tpu.dma_semaphore, #tpu.memory_space<semaphore_mem>>)
    %dma_wait3A_177 = arith.constant 1 : i32
    %dma_wait3A_178 = arith.constant 1 : i32
    %dma_wait3A_179 = arith.constant 0 : i32
    %dma_wait3A_180 = tpu.memref_slice %arg8[%dma_wait3A_177, %dma_wait3A_179] : memref<8x128xf32, #tpu.memory_space<vmem>> -> memref<1x128xf32, #tpu.memory_space<vmem>>
    %dma_wait3A_181 = tpu.memref_squeeze %dma_wait3A_180 : memref<1x128xf32, #tpu.memory_space<vmem>> -> memref<128xf32, #tpu.memory_space<vmem>>
    %dma_wait3A_182 = arith.constant 0 : i32
    %dma_wait3A_183 = tpu.memref_slice %arg7[%dma_wait3A_178, %dma_wait3A_182] : memref<8x128xi32, #tpu.memory_space<vmem>> -> memref<1x128xi32, #tpu.memory_space<vmem>>
    %dma_wait3A_184 = tpu.memref_squeeze %dma_wait3A_183 : memref<1x128xi32, #tpu.memory_space<vmem>> -> memref<128xi32, #tpu.memory_space<vmem>>
    %dma_wait3A_185 = arith.constant 0 : i32
    %dma_wait3A_186 = tpu.memref_slice %arg5[%dma_wait3A_185] : memref<25600000xf32, #tpu.memory_space<hbm>> -> memref<25600000xf32, #tpu.memory_space<hbm>>
    tpu.wait_indirect_dma semaphore(%arg10 : memref<!tpu.dma_semaphore, #tpu.memory_space<semaphore_mem>>) src(%dma_wait3A_181 : memref<128xf32, #tpu.memory_space<vmem>>) dst(%dma_wait3A_186 : memref<25600000xf32, #tpu.memory_space<hbm>>)
    %dma_start3A_187 = arith.constant 2 : i32
    %dma_start3A_188 = arith.constant 2 : i32
    %dma_start3A_189 = arith.constant 0 : i32
    %dma_start3A_190 = tpu.memref_slice %arg8[%dma_start3A_187, %dma_start3A_189] : memref<8x128xf32, #tpu.memory_space<vmem>> -> memref<1x128xf32, #tpu.memory_space<vmem>>
    %dma_start3A_191 = tpu.memref_squeeze %dma_start3A_190 : memref<1x128xf32, #tpu.memory_space<vmem>> -> memref<128xf32, #tpu.memory_space<vmem>>
    %dma_start3A_192 = arith.constant 0 : i32
    %dma_start3A_193 = tpu.memref_slice %arg7[%dma_start3A_188, %dma_start3A_192] : memref<8x128xi32, #tpu.memory_space<vmem>> -> memref<1x128xi32, #tpu.memory_space<vmem>>
    %dma_start3A_194 = tpu.memref_squeeze %dma_start3A_193 : memref<1x128xi32, #tpu.memory_space<vmem>> -> memref<128xi32, #tpu.memory_space<vmem>>
    %dma_start3A_195 = arith.constant 0 : i32
    %dma_start3A_196 = tpu.memref_slice %arg5[%dma_start3A_195] : memref<25600000xf32, #tpu.memory_space<hbm>> -> memref<25600000xf32, #tpu.memory_space<hbm>>
    tpu.enqueue_indirect_dma source(%dma_start3A_191 : memref<128xf32, #tpu.memory_space<vmem>>) target(%dma_start3A_196 : memref<25600000xf32, #tpu.memory_space<hbm>>) offsets(%dma_start3A_194 : memref<128xi32, #tpu.memory_space<vmem>>) semaphore(%arg10 : memref<!tpu.dma_semaphore, #tpu.memory_space<semaphore_mem>>)
    %dma_wait3A_197 = arith.constant 2 : i32
    %dma_wait3A_198 = arith.constant 2 : i32
    %dma_wait3A_199 = arith.constant 0 : i32
    %dma_wait3A_200 = tpu.memref_slice %arg8[%dma_wait3A_197, %dma_wait3A_199] : memref<8x128xf32, #tpu.memory_space<vmem>> -> memref<1x128xf32, #tpu.memory_space<vmem>>
    %dma_wait3A_201 = tpu.memref_squeeze %dma_wait3A_200 : memref<1x128xf32, #tpu.memory_space<vmem>> -> memref<128xf32, #tpu.memory_space<vmem>>
    %dma_wait3A_202 = arith.constant 0 : i32
    %dma_wait3A_203 = tpu.memref_slice %arg7[%dma_wait3A_198, %dma_wait3A_202] : memref<8x128xi32, #tpu.memory_space<vmem>> -> memref<1x128xi32, #tpu.memory_space<vmem>>
    %dma_wait3A_204 = tpu.memref_squeeze %dma_wait3A_203 : memref<1x128xi32, #tpu.memory_space<vmem>> -> memref<128xi32, #tpu.memory_space<vmem>>
    %dma_wait3A_205 = arith.constant 0 : i32
    %dma_wait3A_206 = tpu.memref_slice %arg5[%dma_wait3A_205] : memref<25600000xf32, #tpu.memory_space<hbm>> -> memref<25600000xf32, #tpu.memory_space<hbm>>
    tpu.wait_indirect_dma semaphore(%arg10 : memref<!tpu.dma_semaphore, #tpu.memory_space<semaphore_mem>>) src(%dma_wait3A_201 : memref<128xf32, #tpu.memory_space<vmem>>) dst(%dma_wait3A_206 : memref<25600000xf32, #tpu.memory_space<hbm>>)
    %dma_start3A_207 = arith.constant 3 : i32
    %dma_start3A_208 = arith.constant 3 : i32
    %dma_start3A_209 = arith.constant 0 : i32
    %dma_start3A_210 = tpu.memref_slice %arg8[%dma_start3A_207, %dma_start3A_209] : memref<8x128xf32, #tpu.memory_space<vmem>> -> memref<1x128xf32, #tpu.memory_space<vmem>>
    %dma_start3A_211 = tpu.memref_squeeze %dma_start3A_210 : memref<1x128xf32, #tpu.memory_space<vmem>> -> memref<128xf32, #tpu.memory_space<vmem>>
    %dma_start3A_212 = arith.constant 0 : i32
    %dma_start3A_213 = tpu.memref_slice %arg7[%dma_start3A_208, %dma_start3A_212] : memref<8x128xi32, #tpu.memory_space<vmem>> -> memref<1x128xi32, #tpu.memory_space<vmem>>
    %dma_start3A_214 = tpu.memref_squeeze %dma_start3A_213 : memref<1x128xi32, #tpu.memory_space<vmem>> -> memref<128xi32, #tpu.memory_space<vmem>>
    %dma_start3A_215 = arith.constant 0 : i32
    %dma_start3A_216 = tpu.memref_slice %arg5[%dma_start3A_215] : memref<25600000xf32, #tpu.memory_space<hbm>> -> memref<25600000xf32, #tpu.memory_space<hbm>>
    tpu.enqueue_indirect_dma source(%dma_start3A_211 : memref<128xf32, #tpu.memory_space<vmem>>) target(%dma_start3A_216 : memref<25600000xf32, #tpu.memory_space<hbm>>) offsets(%dma_start3A_214 : memref<128xi32, #tpu.memory_space<vmem>>) semaphore(%arg10 : memref<!tpu.dma_semaphore, #tpu.memory_space<semaphore_mem>>)
    %dma_wait3A_217 = arith.constant 3 : i32
    %dma_wait3A_218 = arith.constant 3 : i32
    %dma_wait3A_219 = arith.constant 0 : i32
    %dma_wait3A_220 = tpu.memref_slice %arg8[%dma_wait3A_217, %dma_wait3A_219] : memref<8x128xf32, #tpu.memory_space<vmem>> -> memref<1x128xf32, #tpu.memory_space<vmem>>
    %dma_wait3A_221 = tpu.memref_squeeze %dma_wait3A_220 : memref<1x128xf32, #tpu.memory_space<vmem>> -> memref<128xf32, #tpu.memory_space<vmem>>
    %dma_wait3A_222 = arith.constant 0 : i32
    %dma_wait3A_223 = tpu.memref_slice %arg7[%dma_wait3A_218, %dma_wait3A_222] : memref<8x128xi32, #tpu.memory_space<vmem>> -> memref<1x128xi32, #tpu.memory_space<vmem>>
    %dma_wait3A_224 = tpu.memref_squeeze %dma_wait3A_223 : memref<1x128xi32, #tpu.memory_space<vmem>> -> memref<128xi32, #tpu.memory_space<vmem>>
    %dma_wait3A_225 = arith.constant 0 : i32
    %dma_wait3A_226 = tpu.memref_slice %arg5[%dma_wait3A_225] : memref<25600000xf32, #tpu.memory_space<hbm>> -> memref<25600000xf32, #tpu.memory_space<hbm>>
    tpu.wait_indirect_dma semaphore(%arg10 : memref<!tpu.dma_semaphore, #tpu.memory_space<semaphore_mem>>) src(%dma_wait3A_221 : memref<128xf32, #tpu.memory_space<vmem>>) dst(%dma_wait3A_226 : memref<25600000xf32, #tpu.memory_space<hbm>>)
    %dma_start3A_227 = arith.constant 4 : i32
    %dma_start3A_228 = arith.constant 4 : i32
    %dma_start3A_229 = arith.constant 0 : i32
    %dma_start3A_230 = tpu.memref_slice %arg8[%dma_start3A_227, %dma_start3A_229] : memref<8x128xf32, #tpu.memory_space<vmem>> -> memref<1x128xf32, #tpu.memory_space<vmem>>
    %dma_start3A_231 = tpu.memref_squeeze %dma_start3A_230 : memref<1x128xf32, #tpu.memory_space<vmem>> -> memref<128xf32, #tpu.memory_space<vmem>>
    %dma_start3A_232 = arith.constant 0 : i32
    %dma_start3A_233 = tpu.memref_slice %arg7[%dma_start3A_228, %dma_start3A_232] : memref<8x128xi32, #tpu.memory_space<vmem>> -> memref<1x128xi32, #tpu.memory_space<vmem>>
    %dma_start3A_234 = tpu.memref_squeeze %dma_start3A_233 : memref<1x128xi32, #tpu.memory_space<vmem>> -> memref<128xi32, #tpu.memory_space<vmem>>
    %dma_start3A_235 = arith.constant 0 : i32
    %dma_start3A_236 = tpu.memref_slice %arg5[%dma_start3A_235] : memref<25600000xf32, #tpu.memory_space<hbm>> -> memref<25600000xf32, #tpu.memory_space<hbm>>
    tpu.enqueue_indirect_dma source(%dma_start3A_231 : memref<128xf32, #tpu.memory_space<vmem>>) target(%dma_start3A_236 : memref<25600000xf32, #tpu.memory_space<hbm>>) offsets(%dma_start3A_234 : memref<128xi32, #tpu.memory_space<vmem>>) semaphore(%arg10 : memref<!tpu.dma_semaphore, #tpu.memory_space<semaphore_mem>>)
    %dma_wait3A_237 = arith.constant 4 : i32
    %dma_wait3A_238 = arith.constant 4 : i32
    %dma_wait3A_239 = arith.constant 0 : i32
    %dma_wait3A_240 = tpu.memref_slice %arg8[%dma_wait3A_237, %dma_wait3A_239] : memref<8x128xf32, #tpu.memory_space<vmem>> -> memref<1x128xf32, #tpu.memory_space<vmem>>
    %dma_wait3A_241 = tpu.memref_squeeze %dma_wait3A_240 : memref<1x128xf32, #tpu.memory_space<vmem>> -> memref<128xf32, #tpu.memory_space<vmem>>
    %dma_wait3A_242 = arith.constant 0 : i32
    %dma_wait3A_243 = tpu.memref_slice %arg7[%dma_wait3A_238, %dma_wait3A_242] : memref<8x128xi32, #tpu.memory_space<vmem>> -> memref<1x128xi32, #tpu.memory_space<vmem>>
    %dma_wait3A_244 = tpu.memref_squeeze %dma_wait3A_243 : memref<1x128xi32, #tpu.memory_space<vmem>> -> memref<128xi32, #tpu.memory_space<vmem>>
    %dma_wait3A_245 = arith.constant 0 : i32
    %dma_wait3A_246 = tpu.memref_slice %arg5[%dma_wait3A_245] : memref<25600000xf32, #tpu.memory_space<hbm>> -> memref<25600000xf32, #tpu.memory_space<hbm>>
    tpu.wait_indirect_dma semaphore(%arg10 : memref<!tpu.dma_semaphore, #tpu.memory_space<semaphore_mem>>) src(%dma_wait3A_241 : memref<128xf32, #tpu.memory_space<vmem>>) dst(%dma_wait3A_246 : memref<25600000xf32, #tpu.memory_space<hbm>>)
    %dma_start3A_247 = arith.constant 5 : i32
    %dma_start3A_248 = arith.constant 5 : i32
    %dma_start3A_249 = arith.constant 0 : i32
    %dma_start3A_250 = tpu.memref_slice %arg8[%dma_start3A_247, %dma_start3A_249] : memref<8x128xf32, #tpu.memory_space<vmem>> -> memref<1x128xf32, #tpu.memory_space<vmem>>
    %dma_start3A_251 = tpu.memref_squeeze %dma_start3A_250 : memref<1x128xf32, #tpu.memory_space<vmem>> -> memref<128xf32, #tpu.memory_space<vmem>>
    %dma_start3A_252 = arith.constant 0 : i32
    %dma_start3A_253 = tpu.memref_slice %arg7[%dma_start3A_248, %dma_start3A_252] : memref<8x128xi32, #tpu.memory_space<vmem>> -> memref<1x128xi32, #tpu.memory_space<vmem>>
    %dma_start3A_254 = tpu.memref_squeeze %dma_start3A_253 : memref<1x128xi32, #tpu.memory_space<vmem>> -> memref<128xi32, #tpu.memory_space<vmem>>
    %dma_start3A_255 = arith.constant 0 : i32
    %dma_start3A_256 = tpu.memref_slice %arg5[%dma_start3A_255] : memref<25600000xf32, #tpu.memory_space<hbm>> -> memref<25600000xf32, #tpu.memory_space<hbm>>
    tpu.enqueue_indirect_dma source(%dma_start3A_251 : memref<128xf32, #tpu.memory_space<vmem>>) target(%dma_start3A_256 : memref<25600000xf32, #tpu.memory_space<hbm>>) offsets(%dma_start3A_254 : memref<128xi32, #tpu.memory_space<vmem>>) semaphore(%arg10 : memref<!tpu.dma_semaphore, #tpu.memory_space<semaphore_mem>>)
    %dma_wait3A_257 = arith.constant 5 : i32
    %dma_wait3A_258 = arith.constant 5 : i32
    %dma_wait3A_259 = arith.constant 0 : i32
    %dma_wait3A_260 = tpu.memref_slice %arg8[%dma_wait3A_257, %dma_wait3A_259] : memref<8x128xf32, #tpu.memory_space<vmem>> -> memref<1x128xf32, #tpu.memory_space<vmem>>
    %dma_wait3A_261 = tpu.memref_squeeze %dma_wait3A_260 : memref<1x128xf32, #tpu.memory_space<vmem>> -> memref<128xf32, #tpu.memory_space<vmem>>
    %dma_wait3A_262 = arith.constant 0 : i32
    %dma_wait3A_263 = tpu.memref_slice %arg7[%dma_wait3A_258, %dma_wait3A_262] : memref<8x128xi32, #tpu.memory_space<vmem>> -> memref<1x128xi32, #tpu.memory_space<vmem>>
    %dma_wait3A_264 = tpu.memref_squeeze %dma_wait3A_263 : memref<1x128xi32, #tpu.memory_space<vmem>> -> memref<128xi32, #tpu.memory_space<vmem>>
    %dma_wait3A_265 = arith.constant 0 : i32
    %dma_wait3A_266 = tpu.memref_slice %arg5[%dma_wait3A_265] : memref<25600000xf32, #tpu.memory_space<hbm>> -> memref<25600000xf32, #tpu.memory_space<hbm>>
    tpu.wait_indirect_dma semaphore(%arg10 : memref<!tpu.dma_semaphore, #tpu.memory_space<semaphore_mem>>) src(%dma_wait3A_261 : memref<128xf32, #tpu.memory_space<vmem>>) dst(%dma_wait3A_266 : memref<25600000xf32, #tpu.memory_space<hbm>>)
    %dma_start3A_267 = arith.constant 6 : i32
    %dma_start3A_268 = arith.constant 6 : i32
    %dma_start3A_269 = arith.constant 0 : i32
    %dma_start3A_270 = tpu.memref_slice %arg8[%dma_start3A_267, %dma_start3A_269] : memref<8x128xf32, #tpu.memory_space<vmem>> -> memref<1x128xf32, #tpu.memory_space<vmem>>
    %dma_start3A_271 = tpu.memref_squeeze %dma_start3A_270 : memref<1x128xf32, #tpu.memory_space<vmem>> -> memref<128xf32, #tpu.memory_space<vmem>>
    %dma_start3A_272 = arith.constant 0 : i32
    %dma_start3A_273 = tpu.memref_slice %arg7[%dma_start3A_268, %dma_start3A_272] : memref<8x128xi32, #tpu.memory_space<vmem>> -> memref<1x128xi32, #tpu.memory_space<vmem>>
    %dma_start3A_274 = tpu.memref_squeeze %dma_start3A_273 : memref<1x128xi32, #tpu.memory_space<vmem>> -> memref<128xi32, #tpu.memory_space<vmem>>
    %dma_start3A_275 = arith.constant 0 : i32
    %dma_start3A_276 = tpu.memref_slice %arg5[%dma_start3A_275] : memref<25600000xf32, #tpu.memory_space<hbm>> -> memref<25600000xf32, #tpu.memory_space<hbm>>
    tpu.enqueue_indirect_dma source(%dma_start3A_271 : memref<128xf32, #tpu.memory_space<vmem>>) target(%dma_start3A_276 : memref<25600000xf32, #tpu.memory_space<hbm>>) offsets(%dma_start3A_274 : memref<128xi32, #tpu.memory_space<vmem>>) semaphore(%arg10 : memref<!tpu.dma_semaphore, #tpu.memory_space<semaphore_mem>>)
    %dma_wait3A_277 = arith.constant 6 : i32
    %dma_wait3A_278 = arith.constant 6 : i32
    %dma_wait3A_279 = arith.constant 0 : i32
    %dma_wait3A_280 = tpu.memref_slice %arg8[%dma_wait3A_277, %dma_wait3A_279] : memref<8x128xf32, #tpu.memory_space<vmem>> -> memref<1x128xf32, #tpu.memory_space<vmem>>
    %dma_wait3A_281 = tpu.memref_squeeze %dma_wait3A_280 : memref<1x128xf32, #tpu.memory_space<vmem>> -> memref<128xf32, #tpu.memory_space<vmem>>
    %dma_wait3A_282 = arith.constant 0 : i32
    %dma_wait3A_283 = tpu.memref_slice %arg7[%dma_wait3A_278, %dma_wait3A_282] : memref<8x128xi32, #tpu.memory_space<vmem>> -> memref<1x128xi32, #tpu.memory_space<vmem>>
    %dma_wait3A_284 = tpu.memref_squeeze %dma_wait3A_283 : memref<1x128xi32, #tpu.memory_space<vmem>> -> memref<128xi32, #tpu.memory_space<vmem>>
    %dma_wait3A_285 = arith.constant 0 : i32
    %dma_wait3A_286 = tpu.memref_slice %arg5[%dma_wait3A_285] : memref<25600000xf32, #tpu.memory_space<hbm>> -> memref<25600000xf32, #tpu.memory_space<hbm>>
    tpu.wait_indirect_dma semaphore(%arg10 : memref<!tpu.dma_semaphore, #tpu.memory_space<semaphore_mem>>) src(%dma_wait3A_281 : memref<128xf32, #tpu.memory_space<vmem>>) dst(%dma_wait3A_286 : memref<25600000xf32, #tpu.memory_space<hbm>>)
    %dma_start3A_287 = arith.constant 7 : i32
    %dma_start3A_288 = arith.constant 7 : i32
    %dma_start3A_289 = arith.constant 0 : i32
    %dma_start3A_290 = tpu.memref_slice %arg8[%dma_start3A_287, %dma_start3A_289] : memref<8x128xf32, #tpu.memory_space<vmem>> -> memref<1x128xf32, #tpu.memory_space<vmem>>
    %dma_start3A_291 = tpu.memref_squeeze %dma_start3A_290 : memref<1x128xf32, #tpu.memory_space<vmem>> -> memref<128xf32, #tpu.memory_space<vmem>>
    %dma_start3A_292 = arith.constant 0 : i32
    %dma_start3A_293 = tpu.memref_slice %arg7[%dma_start3A_288, %dma_start3A_292] : memref<8x128xi32, #tpu.memory_space<vmem>> -> memref<1x128xi32, #tpu.memory_space<vmem>>
    %dma_start3A_294 = tpu.memref_squeeze %dma_start3A_293 : memref<1x128xi32, #tpu.memory_space<vmem>> -> memref<128xi32, #tpu.memory_space<vmem>>
    %dma_start3A_295 = arith.constant 0 : i32
    %dma_start3A_296 = tpu.memref_slice %arg5[%dma_start3A_295] : memref<25600000xf32, #tpu.memory_space<hbm>> -> memref<25600000xf32, #tpu.memory_space<hbm>>
    tpu.enqueue_indirect_dma source(%dma_start3A_291 : memref<128xf32, #tpu.memory_space<vmem>>) target(%dma_start3A_296 : memref<25600000xf32, #tpu.memory_space<hbm>>) offsets(%dma_start3A_294 : memref<128xi32, #tpu.memory_space<vmem>>) semaphore(%arg10 : memref<!tpu.dma_semaphore, #tpu.memory_space<semaphore_mem>>)
    %dma_wait3A_297 = arith.constant 7 : i32
    %dma_wait3A_298 = arith.constant 7 : i32
    %dma_wait3A_299 = arith.constant 0 : i32
    %dma_wait3A_300 = tpu.memref_slice %arg8[%dma_wait3A_297, %dma_wait3A_299] : memref<8x128xf32, #tpu.memory_space<vmem>> -> memref<1x128xf32, #tpu.memory_space<vmem>>
    %dma_wait3A_301 = tpu.memref_squeeze %dma_wait3A_300 : memref<1x128xf32, #tpu.memory_space<vmem>> -> memref<128xf32, #tpu.memory_space<vmem>>
    %dma_wait3A_302 = arith.constant 0 : i32
    %dma_wait3A_303 = tpu.memref_slice %arg7[%dma_wait3A_298, %dma_wait3A_302] : memref<8x128xi32, #tpu.memory_space<vmem>> -> memref<1x128xi32, #tpu.memory_space<vmem>>
    %dma_wait3A_304 = tpu.memref_squeeze %dma_wait3A_303 : memref<1x128xi32, #tpu.memory_space<vmem>> -> memref<128xi32, #tpu.memory_space<vmem>>
    %dma_wait3A_305 = arith.constant 0 : i32
    %dma_wait3A_306 = tpu.memref_slice %arg5[%dma_wait3A_305] : memref<25600000xf32, #tpu.memory_space<hbm>> -> memref<25600000xf32, #tpu.memory_space<hbm>>
    tpu.wait_indirect_dma semaphore(%arg10 : memref<!tpu.dma_semaphore, #tpu.memory_space<semaphore_mem>>) src(%dma_wait3A_301 : memref<128xf32, #tpu.memory_space<vmem>>) dst(%dma_wait3A_306 : memref<25600000xf32, #tpu.memory_space<hbm>>)
    return
  }
}

module attributes {stable_mosaic.version = 14 : i64} {
  func.func @_matmul_kernel(%arg0: memref<256x4096xf32, #tpu.memory_space<vmem>>, %arg1: memref<128x4096xf32, #tpu.memory_space<vmem>>, %arg2: memref<256x128xf32, #tpu.memory_space<vmem>>) attributes {dimension_semantics = [], scalar_prefetch = 0 : i64, scratch_operands = 0 : i64, tpu.core_type = #tpu.core_type<tc>} {
    %get3A = arith.constant 0 : index
    %get3A_0 = arith.constant 0 : index
    %get3A_1 = vector.load %arg0[%get3A, %get3A_0] : memref<256x4096xf32, #tpu.memory_space<vmem>>, vector<256x4096xf32>
    %get3A_2 = arith.constant 0 : index
    %get3A_3 = arith.constant 0 : index
    %get3A_4 = vector.load %arg1[%get3A_2, %get3A_3] : memref<128x4096xf32, #tpu.memory_space<vmem>>, vector<128x4096xf32>
    %dot_general3A = arith.constant dense<0.000000e+00> : vector<256x128xf32>
    %dot_general3A_5 = tpu.matmul %get3A_1, %get3A_4, %dot_general3A {dimension_numbers = #tpu.dot_dimension_numbers<[1], [1], [0], [0], [0, 0, 1, 0], [], []>, transpose_lhs_hint = false} : vector<256x4096xf32>, vector<128x4096xf32>, vector<256x128xf32> -> vector<256x128xf32>
    %swap3A = arith.constant 0 : index
    %swap3A_6 = arith.constant 0 : index
    %swap3A_7 = vector.load %arg2[%swap3A, %swap3A_6] : memref<256x128xf32, #tpu.memory_space<vmem>>, vector<256x128xf32>
    tpu.vector_store %arg2[%swap3A, %swap3A_6], %dot_general3A_5 {strides = array<i32>} : memref<256x128xf32, #tpu.memory_space<vmem>>, vector<256x128xf32>,
    return
  }
}

</mosaic_0001>

<sc_bundles>
// kernel: kernel.4.cloned.1.call-start
scs
__scs_entry_jumppad:
0x0: {  	(pc) =	sbr.rel $0x88, $3  }
0x1: {  	(tag) =	ssettag $0x0;
	lr =	simm.s32 $0x1  }
0x2: {  	[smem:$0x3F9E] =	sst lr;
	_ =	strace $0xD0000000  }
0x3: {  	_ = 	snop  }
0x4: {  	_ = 	snop  }
0x5: {  	_ = 	snop  }
0x6: {  	_ = 	snop  }
0x7: {  	_ = 	snop  }
__scs_overlays_trampoline_lowered:
0x8: {  	[smem:$0x3FAD] =	sst s0  }
0x9: {  	[smem:$0x3FAE] =	sst s1  }
0xa: {  	[smem:$0x3FAF] =	sst s2  }
0xb: {  	[smem:$0x3FB0] =	sst s3  }
0xc: {  	[smem:$0x3FB1] =	sst s4  }
0xd: {  	[smem:$0x3FB2] =	sst s5  }
0xe: {  	[smem:$0x3FB3] =	sst s6  }
0xf: {  	[smem:$0x3FB4] =	sst s7  }
0x10: {  	[smem:$0x3FB5] =	sst s8  }
0x11: {  	[smem:$0x3FB6] =	sst s9;
	s0 =	simm.s32 @!p0 $0x0  }
0x12: {  	s1 =	sld [smem:$0x3F9C];
	s0 =	simm.s32 @p0 $0x1  }
0x13: {  	[smem:$0x3FB7] =	sst s0;
	s0 =	simm.s32 @!p1 $0x0  }
0x14: {  	s2 =	sld [smem:$0x3F9B];
	s0 =	simm.s32 @p1 $0x1  }
0x15: {  	[smem:$0x3FB8] =	sst s0;
	s0 =	simm.s32 @!p2 $0x0  }
0x16: {  	s3 =	sld [smem:$0x3FDB];
	s0 =	simm.s32 @p2 $0x1  }
0x17: {  	s4 =	simm.s32 $0x1BF5;
	[smem:$0x3FBA] =	sst s0  }
0x18: {  	s0 =	sld [smem:$0x3F9D];
	_ =	swait.ge [sflag:s4], $0x0  }
0x19: {  	s7 =	sld [smem:$0x3F9E]  }
0x1a: {  	s8 =	sadd.s32 $0xFFFFE003, lr  }
0x1b: {  	s9 =	sadd.s32 $0xFFFFFEF7, lr;
	s5 =	simm.s32 $0xFFFFFFFF;
	p2 =	slt.u32 s8, $0xFFFFF086  }
0x1c: {  	p1 =	slt.u32 s9, $0xF7A;
	s5 =	simm.s32 @!p2 $0x0  }
0x1d: {  	s5 =	simm.s32 @p1 $0x1;
	p0 =	seq.s32 s7, s2  }
0x1e: {  	s7 =	smul.u32 @!p0 $0xF7A, s2;
	p2 =	seq.s32 @!p0 s5, $0x0  }
0x1f: {  	s9 =	smul.u32 $0xF7A, s1;
	s8 =	simm.s32 @!p0 $0x1BF5;
	p2 =	por !p2, p0  }
0x20: {  	[sflag:s8] =	ssyncset.s32 @!p0 $0xFFFFF086;
	s6 =	sadd.s32 @!p0 s3, s7;
	s7 =	simm.s32 @!p0 $0x108  }
0x21: {  	s3 =	sadd.s32 s3, s9;
	s6 =	sadd.s32 @!p0 $0x88, s6;
	s7 =	simm.s32 @p2 $0x1082  }
0x22: {  	[simem:s7], [sflag:s8] =	dma.local @!p0 [hbm:s6], $0xF7A  }
0x23: {  	s9 =	sor.u32 $0xD0000000, s2;
	s6 =	simm.s32 $0x108;
	_ =	swait.ge @!p0 [sflag:s8], $0x0  }
0x24: {  	s3 =	sadd.s32 $0x88, s3;
	s6 =	simm.s32 @!p1 $0x1082;
	[sflag:s4] =	ssyncset.s32 $0xFFFFF086  }
0x25: {  	[simem:s6], [sflag:s4] =	dma.local [hbm:s3], $0xF7A  }
0x26: {  	[smem:$0x3F9E] =	sst s1;
	(tag) =	ssettag s2;
	_ =	strace s9  }
0x27: {  	s1 =	sld [smem:$0x3FAE]  }
0x28: {  	s2 =	sld [smem:$0x3FAF]  }
0x29: {  	s4 =	sld [smem:$0x3FB1]  }
0x2a: {  	p0 =	seq.s32 s5, $0x0;
	s5 =	sld [smem:$0x3FB2]  }
0x2b: {  	s6 =	sld [smem:$0x3FB3]  }
0x2c: {  	s7 =	sld [smem:$0x3FB4]  }
0x2d: {  	s3 =	simm.s32 $0x108;
	s8 =	sld [smem:$0x3FB5]  }
0x2e: {  	s3 =	simm.s32 @!p0 $0x1082;
	s9 =	sld [smem:$0x3FB6]  }
0x2f: {  	lr =	sadd.s32 s0, s3;
	s0 =	sld [smem:$0x3FAD]  }
0x30: {  	s3 =	sld [smem:$0x3FB0]  }
0x31: {  	[smem:$0x3FB9] =	sst s10  }
0x32: {  	s10 =	sld [smem:$0x3FB7];
	_ =	sdelay $0x3  }
0x33: {  	p0 =	seq.s32 s10, $0x1;
	s10 =	sld [smem:$0x3FB9];
	_ =	sdelay $0x3  }
0x34: {  	[smem:$0x3FB9] =	sst s10  }
0x35: {  	s10 =	sld [smem:$0x3FB8];
	_ =	sdelay $0x3  }
0x36: {  	p1 =	seq.s32 s10, $0x1;
	s10 =	sld [smem:$0x3FB9];
	_ =	sdelay $0x3  }
0x37: {  	[smem:$0x3FB9] =	sst s10  }
0x38: {  	s10 =	sld [smem:$0x3FBA]  }
0x39: {  	_ = 	snop;
	(pc) =	sbr.ind lr, $3  }
0x3a: {  	_ = 	snop  }
0x3b: {  	_ = 	snop  }
0x3c: {  	p2 =	seq.s32 s10, $0x1;
	s10 =	sld [smem:$0x3FB9]  }
0x3d: {  	_ =	shalt  }
0x3e: {  	_ =	shalt  }
0x3f: {  	_ =	shalt  }
0x40: {  	_ =	shalt  }
0x41: {  	_ =	shalt  }
0x42: {  	_ =	shalt  }
0x43: {  	_ =	shalt  }
0x44: {  	_ =	shalt  }
0x45: {  	_ =	shalt  }
0x46: {  	_ =	shalt  }
0x47: {  	_ =	shalt  }
0x48: {  	_ =	shalt  }
0x49: {  	_ =	shalt  }
0x4a: {  	_ =	shalt  }
0x4b: {  	_ =	shalt  }
0x4c: {  	_ =	shalt  }
0x4d: {  	_ =	shalt  }
0x4e: {  	_ =	shalt  }
0x4f: {  	_ =	shalt  }
0x50: {  	_ =	shalt  }
0x51: {  	_ =	shalt  }
0x52: {  	_ =	shalt  }
0x53: {  	_ =	shalt  }
0x54: {  	_ =	shalt  }
0x55: {  	_ =	shalt  }
0x56: {  	_ =	shalt  }
0x57: {  	_ =	shalt  }
0x58: {  	_ =	shalt  }
0x59: {  	_ =	shalt  }
0x5a: {  	_ =	shalt  }
0x5b: {  	_ =	shalt  }
0x5c: {  	_ =	shalt  }
0x5d: {  	_ =	shalt  }
0x5e: {  	_ =	shalt  }
0x5f: {  	_ =	shalt  }
0x60: {  	_ =	shalt  }
0x61: {  	_ =	shalt  }
0x62: {  	_ =	shalt  }
0x63: {  	_ =	shalt  }
0x64: {  	_ =	shalt  }
0x65: {  	_ =	shalt  }
0x66: {  	_ =	shalt  }
0x67: {  	_ =	shalt  }
0x68: {  	_ =	shalt  }
0x69: {  	_ =	shalt  }
0x6a: {  	_ =	shalt  }
0x6b: {  	_ =	shalt  }
0x6c: {  	_ =	shalt  }
0x6d: {  	_ =	shalt  }
0x6e: {  	_ =	shalt  }
0x6f: {  	_ =	shalt  }
0x70: {  	_ =	shalt  }
0x71: {  	_ =	shalt  }
0x72: {  	_ =	shalt  }
0x73: {  	_ =	shalt  }
0x74: {  	_ =	shalt  }
0x75: {  	_ =	shalt  }
0x76: {  	_ =	shalt  }
0x77: {  	_ =	shalt  }
0x78: {  	_ =	shalt  }
0x79: {  	_ =	shalt  }
0x7a: {  	_ =	shalt  }
0x7b: {  	_ =	shalt  }
0x7c: {  	_ =	shalt  }
0x7d: {  	_ =	shalt  }
0x7e: {  	_ =	shalt  }
0x7f: {  	_ =	shalt  }
0x80: {  	_ =	shalt  }
0x81: {  	_ =	shalt  }
0x82: {  	_ =	shalt  }
0x83: {  	_ =	shalt  }
0x84: {  	_ =	shalt  }
0x85: {  	_ =	shalt  }
0x86: {  	_ =	shalt  }
0x87: {  	_ =	shalt  }
.Lfunc_end0:
.L_simem_size_0:
called_computation_lowered:
.L_overlay_start_0:
0x88: {  	s2 =	sld [smem:$0x3FD9]  }
0x89: {  	s3 =	sld [smem:$0x3FFE];
	_ =	sdelay $0x1  }
0x8a: {  	s1 =	srdreg.scid  }
0x8b: {  	s0 =	sand.u32 $0x1, s1  }
0x8c: {  	s17 =	sshll.u32 s0, $0xA;
	s2 =	sadd.s32 s3, s2  }
0x8d: {  	s2 =	sadd.s32 s2, s17  }
0x8e: {  	[smem:$0x3FC5] =	sst s2  }
0x8f: {  	_ = 	snop  }
0x90: {  	s2 =	sld [smem:$0x3FD0];
	(tm) =	ssettm $0x1  }
0x91: {  	s18 =	sld [smem:$0x3FFB];
	_ =	sdelay $0x3  }
0x92: {  	_ =	strace s18  }
0x93: {  	s3 =	sld [smem:$0x3FFC];
	_ =	sdelay $0x3  }
0x94: {  	_ =	strace s3  }
0x95: {  	s3 =	sld [smem:$0x3FFD];
	_ =	sdelay $0x3  }
0x96: {  	_ =	strace s3  }
0x97: {  	_ =	strace $0x8FFFFFFF  }
0x98: {  	s19 =	sld [smem:$0x3FDB];
	_ =	sdelay $0x1  }
0x99: {  	s4 =	simm.s32 $_scs_section_size  }
0x9a: {  	s5 =	simm.s32 $_size__tile_overlayer_lowered;
	s6 =	simm.s32 $_tile_overlayer_lowered  }
0x9b: {  	s22 =	simm.s32 $0x1BFF;
	s21 =	sshll.u32 s6, $0x1;
	s3 =	sadd.s32 s4, s19  }
0x9c: {  	s7 =	simm.s32 $0x0;
	s20 =	sshll.u32 s5, $0x1;
	s5 =	sadd.s32 s21, s3  }
0x9d: {  	[timem:s7], [sflag:s22] =	dma.local [hbm:s5], s20  }
0x9e: {  	_ =	swait.ge [sflag:s22], s20  }
0x9f: {  	s4 =	ssub.s32 $0x0, s20;
	[sflag:s22] =	ssyncset.done $0x0  }
0xa0: {  	[sflag:s22] =	ssyncadd.s32 s4;
	_ =	sdelay $0x1  }
0xa1: {  	s23 =	simm.s32 $0x1B8B  }
0xa2: {  	_ =	swait.ge [sflag:s23], $0x1  }
0xa3: {  	[sflag:s23] =	ssyncset.done $0x0  }
0xa4: {  	s25 =	simm.s32 $0x1B8E;
	s24 =	sld [smem:$0x3FFE];
	[sflag:s23] =	ssyncadd.s32 $0xFFFFFFFF  }
0xa5: {  	s26 =	simm.s32 $execute0_lowered;
	[smem:$0x3FD2] =	sst s25  }
0xa6: {  	s5 =	sshll.u32 s26, $0x1;
	_ =	strace $0x80000046;
	[dreg:$0x1] =	wrdreg $0xFFFFFFFF  }
0xa7: {  	s28 =	simm.s32 $_size_execute0_lowered;
	s3 =	sadd.s32 s3, s5;
	[dreg:$0x0] =	wrdreg $0x0  }
0xa8: {  	s5 =	sshll.u32 s28, $0x1;
	[dreg:$0x2] =	wrdreg s3  }
0xa9: {  	[dreg:$0x3] =	wrdreg s5  }
0xaa: {  	[dreg:$0x4] =	wrdreg $0xC0  }
0xab: {  	_ =	task [dreg:s7], $0x5FFFF  }
0xac: {  	[dreg:$0x1] =	wrdreg $0xFFFFFFFF  }
0xad: {  	[dreg:$0x0] =	wrdreg $0x60  }
0xae: {  	[dreg:$0x2] =	wrdreg s2  }
0xaf: {  	[dreg:$0x3] =	wrdreg s24  }
0xb0: {  	[dreg:$0x4] =	wrdreg $0x9  }
0xb1: {  	_ =	task.clear_ibuf [dreg:s7], $0x5FFFF;
	_ =	strace $0x90000046  }
0xb2: {  	s29 =	simm.s32 $0x9;
	_ =	strace $0x80000048  }
0xb3: {  	_ =	swait.ge [sflag:s29], $0x1  }
0xb4: {  	[sflag:s29] =	ssyncadd.s32 $0xFFFFFFFF  }
0xb5: {  	_ =	strace $0x90000048  }
0xb6: {  	_ =	sfence  }
0xb7: {  	s30 =	sld [smem:$0x0];
	_ =	sdelay $0x2  }
0xb8: {  	s31 =	sshll.u32 s1, $0xD;
	s1 =	sshrl.u32 s1, $0x2  }
0xb9: {  	s3 =	sand.u32 $0x4000, s31;
	s1 =	sadd.s32 s1, s30  }
0xba: {  	s0 =	sor.u32 s3, s0;
	s1 =	sshll.u32 s1, $0x11  }
0xbb: {  	s0 =	sor.u32 s1, s0  }
0xbc: {  	s0 =	sadd.s32 $0x8F2B, s0  }
0xbd: {  	[sflag:s0] =	ssyncadd.remote.s32 $0x1  }
0xbe: {  	_ =	sfence.sel $0xFFFF  }
0xbf: {  	[dreg:$0x0] =	wrdreg $0xFFFFFFFF;
	(pc) =	sbr.abs _section_cstart, $3  }
0xc0: {  	[dreg:$0x1] =	wrdreg $0xFFFFFFFF  }
0xc1: {  	_ =	task.clear_ibuf [dreg:s7], $0x2FFFF;
	_ =	strace $0x9FFFFFFF  }
0xc2: {  	(tm) =	ssettm $0x7FFFFFFF  }
0xc3: {  	_ =	shalt  }
tec
execute0_lowered:
.L_overlay_start_1:
0x0: {  	(tag) =	ssettag $0x1  }
0x1: {  	s0 =	srdreg.scid;
	s1 =	rddreg [dreg:$0x0]  }
0x2: {  	s6 =	stileid.u32;
	s4 =	rddreg [dreg:$0x1]  }
0x3: {  	s3 =	simm.s32 $0x0;
	s10 =	simm.s32 $0xC800;
	s12 =	simm.s32 $0xC980  }
0x4: {  	p0 =	por $0x0, $0x0;
	s0 =	sand.u32 $0x1, s0;
	s2 =	sshll.u32 s6, $0x1  }
0x5: {  	s13 =	simm.s32 $0xC600;
	s9 =	simm.s32 $0xC680;
	s14 =	sor.u32 s0, s2  }
0x6: {  	s11 =	simm.s32 $0xCA80;
	[dreg:$0x3] =	wrdreg s1;
	s5 =	smul.u32 $0xC3500, s14  }
0x7: {  	s7 =	simm.s32 $0xC700;
	s8 =	simm.s32 $0xCB00;
	[smem:$0x7FF] =	sst s3  }
0x8: {  	s2 =	sadd.s32 $0x2A00, s4;
	_ =	strace $0x80000047;
	s5 =	sshrl.u32 s5, $0x3  }
0x9: {  	s0 =	ssub.s32 $0x2, s0;
	s1 =	sshll.u32 s14, $0x7;
	s26 =	sadd.s32 s2, s5  }
0xa: {  	s24 =	sshrl.u32 s0, $0x1;
	s14 =	simm.s32 $0xC500;
	s5 =	sadd.s32 $0x186A, s26  }
0xb: {  	s1 =	sadd.s32 s1, s4;
	s15 =	sadd.s32 $0x30D4, s26;
	[dreg:$0x4] =	wrdreg s5  }
0xc: {  	s0 =	ssub.s32 s0, s24;
	s16 =	sadd.s32 $0x493E, s26;
	[dreg:$0x5] =	wrdreg s15  }
0xd: {  	s4 =	simm.s32 $0x2;
	s17 =	sadd.s32 $0x61A8, s26;
	[dreg:$0x6] =	wrdreg s16  }
0xe: {  	s24 =	sadd.s32 $0xA00, s1;
	s18 =	sadd.s32 $0x7A12, s26;
	[dreg:$0x7] =	wrdreg s17  }
0xf: {  	s0 =	smax.u32 s0, $0x1;
	s19 =	sadd.s32 $0x927C, s26;
	[dreg:$0x8] =	wrdreg s18  }
0x10: {  	p1 =	sne.s32 s0, $0x1;
	s20 =	sadd.s32 $0xAAE6, s26;
	[dreg:$0x9] =	wrdreg s19  }
0x11: {  	s21 =	sadd.s32 $0xC350, s26;
	s22 =	sadd.s32 $0xDBBA, s26;
	[dreg:$0xa] =	wrdreg s20  }
0x12: {  	s23 =	sadd.s32 $0xF424, s26;
	s25 =	sadd.s32 $0x10C8E, s26;
	[dreg:$0xb] =	wrdreg s21  }
0x13: {  	s28 =	sadd.s32 $0x124F8, s26;
	s29 =	sadd.s32 $0x13D62, s26;
	[dreg:$0xc] =	wrdreg s22  }
0x14: {  	s30 =	sadd.s32 $0x155CC, s26;
	s31 =	sadd.s32 $0x16E36, s26;
	[dreg:$0xd] =	wrdreg s23  }
.Ltmp0:
0x15: {  	[dreg:$0xe] =	wrdreg s25;
	s19 =	sadd.s32 $0x1A00, s1;
	(pc) =	sbr.rel @!p1 .LBB2_1-.Ltmp0, $4  }
0x16: {  	s17 =	simm.s32 $0x3;
	s25 =	simm.s32 $0x1;
	s20 =	simm.s32 $0xC380  }
0x17: {  	s22 =	simm.s32 $0xC780;
	s5 =	simm.s32 $0x80;
	s23 =	simm.s32 $0xC400  }
0x18: {  	s18 =	simm.s32 $0xC480;
	s21 =	simm.s32 $0xC880;
	s16 =	simm.s32 $0xC900  }
0x19: {  	s1 =	sadd.s32 $0xFFFFFFFF, s0;
	s15 =	simm.s32 $0xCA00;
	s0 =	rddreg [dreg:$0x3]  }
0x1a: {  	[tilespmem:s3], [sflag:$0x3] =	stream.linear.gather [hbm4b:s0+s3], $0xC380, $0x38;
	[tilespmem:$0xCB80] =	vst v63  }
0x1b: {  	_ =	swait.ge [sflag:s17], $0xC380  }
0x1c: {  	[sflag:s17] =	ssyncset.done $0x0  }
0x1d: {  	[sflag:s17] =	ssyncadd.s32 $0xFFFF3C80  }
0x1e: {  	[hbm4b:s26+s3] =	stream.linear.scatter [tilespmem:s3], [sflag:$0x1], $0xC350, $0x38;
	[tilespmem:$0xCB80] =	vst v63  }
0x1f: {  	s0 =	rddreg [dreg:$0x4]  }
0x20: {  	[hbm4b:s0+s3] =	stream.linear.scatter [tilespmem:s3], [sflag:$0x1], $0xC350, $0x38;
	[tilespmem:$0xCB80] =	vst v63  }
0x21: {  	s6 =	smov.u32 s1;
	s1 =	rddreg [dreg:$0x5]  }
0x22: {  	[hbm4b:s1+s3] =	stream.linear.scatter [tilespmem:s3], [sflag:$0x1], $0xC350, $0x38;
	[tilespmem:$0xCB80] =	vst v63  }
0x23: {  	s0 =	rddreg [dreg:$0x6]  }
0x24: {  	[hbm4b:s0+s3] =	stream.linear.scatter [tilespmem:s3], [sflag:$0x1], $0xC350, $0x38;
	[tilespmem:$0xCB80] =	vst v63  }
0x25: {  	s1 =	rddreg [dreg:$0x7]  }
0x26: {  	[hbm4b:s1+s3] =	stream.linear.scatter [tilespmem:s3], [sflag:$0x1], $0xC350, $0x38;
	[tilespmem:$0xCB80] =	vst v63  }
0x27: {  	s0 =	rddreg [dreg:$0x8]  }
0x28: {  	[hbm4b:s0+s3] =	stream.linear.scatter [tilespmem:s3], [sflag:$0x1], $0xC350, $0x38;
	[tilespmem:$0xCB80] =	vst v63  }
0x29: {  	s1 =	rddreg [dreg:$0x9]  }
0x2a: {  	[hbm4b:s1+s3] =	stream.linear.scatter [tilespmem:s3], [sflag:$0x1], $0xC350, $0x38;
	[tilespmem:$0xCB80] =	vst v63  }
0x2b: {  	s0 =	rddreg [dreg:$0xa]  }
0x2c: {  	[hbm4b:s0+s3] =	stream.linear.scatter [tilespmem:s3], [sflag:$0x1], $0xC350, $0x38;
	[tilespmem:$0xCB80] =	vst v63  }
0x2d: {  	s1 =	rddreg [dreg:$0xb]  }
0x2e: {  	[hbm4b:s1+s3] =	stream.linear.scatter [tilespmem:s3], [sflag:$0x1], $0xC350, $0x38;
	[tilespmem:$0xCB80] =	vst v63  }
0x2f: {  	s0 =	rddreg [dreg:$0xc]  }
0x30: {  	[hbm4b:s0+s3] =	stream.linear.scatter [tilespmem:s3], [sflag:$0x1], $0xC350, $0x38;
	[tilespmem:$0xCB80] =	vst v63  }
0x31: {  	s1 =	rddreg [dreg:$0xd]  }
0x32: {  	[hbm4b:s1+s3] =	stream.linear.scatter [tilespmem:s3], [sflag:$0x1], $0xC350, $0x38;
	[tilespmem:$0xCB80] =	vst v63  }
0x33: {  	s0 =	rddreg [dreg:$0xe]  }
0x34: {  	[hbm4b:s0+s3] =	stream.linear.scatter [tilespmem:s3], [sflag:$0x1], $0xC350, $0x38;
	[tilespmem:$0xCB80] =	vst v63  }
0x35: {  	_ = 	snop  }
0x36: {  	[hbm4b:s28+s3] =	stream.linear.scatter [tilespmem:s3], [sflag:$0x1], $0xC350, $0x38;
	[tilespmem:$0xCB80] =	vst v63  }
0x37: {  	_ = 	snop  }
0x38: {  	[hbm4b:s29+s3] =	stream.linear.scatter [tilespmem:s3], [sflag:$0x1], $0xC350, $0x38;
	[tilespmem:$0xCB80] =	vst v63  }
0x39: {  	_ = 	snop  }
0x3a: {  	[hbm4b:s30+s3] =	stream.linear.scatter [tilespmem:s3], [sflag:$0x1], $0xC350, $0x38;
	[tilespmem:$0xCB80] =	vst v63  }
0x3b: {  	_ = 	snop  }
0x3c: {  	[hbm4b:s31+s3] =	stream.linear.scatter [tilespmem:s3], [sflag:$0x1], $0xC350, $0x38;
	[tilespmem:$0xCB80] =	vst v63  }
0x3d: {  	_ =	swait.ge [sflag:s25], $0xC350  }
0x3e: {  	[sflag:s25] =	ssyncset.done $0x0  }
0x3f: {  	[sflag:s25] =	ssyncadd.s32 $0xFFFF3CB0  }
0x40: {  	_ =	swait.ge [sflag:s25], $0xC350  }
0x41: {  	[sflag:s25] =	ssyncset.done $0x0  }
0x42: {  	[sflag:s25] =	ssyncadd.s32 $0xFFFF3CB0  }
0x43: {  	_ =	swait.ge [sflag:s25], $0xC350  }
0x44: {  	[sflag:s25] =	ssyncset.done $0x0  }
0x45: {  	[sflag:s25] =	ssyncadd.s32 $0xFFFF3CB0  }
0x46: {  	_ =	swait.ge [sflag:s25], $0xC350  }
0x47: {  	[sflag:s25] =	ssyncset.done $0x0  }
0x48: {  	[sflag:s25] =	ssyncadd.s32 $0xFFFF3CB0  }
0x49: {  	_ =	swait.ge [sflag:s25], $0xC350  }
0x4a: {  	[sflag:s25] =	ssyncset.done $0x0  }
0x4b: {  	[sflag:s25] =	ssyncadd.s32 $0xFFFF3CB0  }
0x4c: {  	_ =	swait.ge [sflag:s25], $0xC350  }
0x4d: {  	[sflag:s25] =	ssyncset.done $0x0  }
0x4e: {  	[sflag:s25] =	ssyncadd.s32 $0xFFFF3CB0  }
0x4f: {  	_ =	swait.ge [sflag:s25], $0xC350  }
0x50: {  	[sflag:s25] =	ssyncset.done $0x0  }
0x51: {  	[sflag:s25] =	ssyncadd.s32 $0xFFFF3CB0  }
0x52: {  	_ =	swait.ge [sflag:s25], $0xC350  }
0x53: {  	[sflag:s25] =	ssyncset.done $0x0  }
0x54: {  	[sflag:s25] =	ssyncadd.s32 $0xFFFF3CB0  }
0x55: {  	_ =	swait.ge [sflag:s25], $0xC350  }
0x56: {  	[sflag:s25] =	ssyncset.done $0x0  }
0x57: {  	[sflag:s25] =	ssyncadd.s32 $0xFFFF3CB0  }
0x58: {  	_ =	swait.ge [sflag:s25], $0xC350  }
0x59: {  	[sflag:s25] =	ssyncset.done $0x0  }
0x5a: {  	[sflag:s25] =	ssyncadd.s32 $0xFFFF3CB0  }
0x5b: {  	_ =	swait.ge [sflag:s25], $0xC350  }
0x5c: {  	[sflag:s25] =	ssyncset.done $0x0  }
0x5d: {  	[sflag:s25] =	ssyncadd.s32 $0xFFFF3CB0  }
0x5e: {  	_ =	swait.ge [sflag:s25], $0xC350  }
0x5f: {  	[sflag:s25] =	ssyncset.done $0x0  }
0x60: {  	[sflag:s25] =	ssyncadd.s32 $0xFFFF3CB0  }
0x61: {  	_ =	swait.ge [sflag:s25], $0xC350  }
0x62: {  	[sflag:s25] =	ssyncset.done $0x0  }
0x63: {  	[sflag:s25] =	ssyncadd.s32 $0xFFFF3CB0  }
0x64: {  	_ =	swait.ge [sflag:s25], $0xC350  }
0x65: {  	[sflag:s25] =	ssyncset.done $0x0  }
0x66: {  	[sflag:s25] =	ssyncadd.s32 $0xFFFF3CB0  }
0x67: {  	_ =	swait.ge [sflag:s25], $0xC350  }
0x68: {  	[sflag:s25] =	ssyncset.done $0x0  }
0x69: {  	[sflag:s25] =	ssyncadd.s32 $0xFFFF3CB0  }
0x6a: {  	_ =	swait.ge [sflag:s25], $0xC350  }
0x6b: {  	[sflag:s25] =	ssyncset.done $0x0  }
0x6c: {  	[sflag:s25] =	ssyncadd.s32 $0xFFFF3CB0  }
0x6d: {  	[tilespmem:s20], [sflag:$0x3] =	stream.linear.gather [hbm4b:s24+s3], $0x400, $0x38;
	[tilespmem:$0xCB80] =	vst v63  }
0x6e: {  	_ =	swait.ge [sflag:s17], $0x400  }
0x6f: {  	[sflag:s17] =	ssyncset.done $0x0  }
0x70: {  	[sflag:s17] =	ssyncadd.s32 $0xFFFFFC00  }
0x71: {  	[tilespmem:s22], [sflag:$0x3] =	stream.linear.gather [hbm4b:s19+s3], $0x400, $0x38;
	[tilespmem:$0xCB80] =	vst v63  }
0x72: {  	_ =	swait.ge [sflag:s17], $0x400  }
0x73: {  	[sflag:s17] =	ssyncset.done $0x0  }
0x74: {  	[sflag:s17] =	ssyncadd.s32 $0xFFFFFC00  }
0x75: {  	[hbm4b:s2+s5] =	stream.indirect.scatter [tilespmem:s22], [sflag:$0x2], $0x1, s20, s5, $0xb8;
	[tilespmem:$0xCB80] =	vst v63  }
0x76: {  	_ =	swait.ge [sflag:s4], $0x80  }
0x77: {  	[sflag:s4] =	ssyncset.done $0x0  }
0x78: {  	[sflag:s4] =	ssyncadd.s32 $0xFFFFFF80  }
0x79: {  	[hbm4b:s2+s5] =	stream.indirect.scatter [tilespmem:s10], [sflag:$0x2], $0x1, s23, s5, $0xb8;
	[tilespmem:$0xCB80] =	vst v63  }
0x7a: {  	_ =	swait.ge [sflag:s4], $0x80  }
0x7b: {  	[sflag:s4] =	ssyncset.done $0x0  }
0x7c: {  	[sflag:s4] =	ssyncadd.s32 $0xFFFFFF80  }
0x7d: {  	[hbm4b:s2+s5] =	stream.indirect.scatter [tilespmem:s21], [sflag:$0x2], $0x1, s18, s5, $0xb8;
	[tilespmem:$0xCB80] =	vst v63  }
0x7e: {  	_ =	swait.ge [sflag:s4], $0x80  }
0x7f: {  	[sflag:s4] =	ssyncset.done $0x0  }
0x80: {  	[sflag:s4] =	ssyncadd.s32 $0xFFFFFF80  }
0x81: {  	[hbm4b:s2+s5] =	stream.indirect.scatter [tilespmem:s16], [sflag:$0x2], $0x1, s14, s5, $0xb8;
	[tilespmem:$0xCB80] =	vst v63  }
0x82: {  	_ =	swait.ge [sflag:s4], $0x80  }
0x83: {  	[sflag:s4] =	ssyncset.done $0x0  }
0x84: {  	s1 =	simm.s32 $0xC580;
	[sflag:s4] =	ssyncadd.s32 $0xFFFFFF80  }
0x85: {  	[hbm4b:s2+s5] =	stream.indirect.scatter [tilespmem:s12], [sflag:$0x2], $0x1, s1, s5, $0xb8;
	[tilespmem:$0xCB80] =	vst v63  }
0x86: {  	_ =	swait.ge [sflag:s4], $0x80  }
0x87: {  	[sflag:s4] =	ssyncset.done $0x0  }
0x88: {  	[sflag:s4] =	ssyncadd.s32 $0xFFFFFF80  }
0x89: {  	[hbm4b:s2+s5] =	stream.indirect.scatter [tilespmem:s15], [sflag:$0x2], $0x1, s13, s5, $0xb8;
	[tilespmem:$0xCB80] =	vst v63  }
0x8a: {  	_ =	swait.ge [sflag:s4], $0x80  }
0x8b: {  	[sflag:s4] =	ssyncset.done $0x0  }
0x8c: {  	[sflag:s4] =	ssyncadd.s32 $0xFFFFFF80  }
0x8d: {  	[hbm4b:s2+s5] =	stream.indirect.scatter [tilespmem:s11], [sflag:$0x2], $0x1, s9, s5, $0xb8;
	[tilespmem:$0xCB80] =	vst v63  }
0x8e: {  	p1 =	sne.s32 s6, $0x1;
	_ =	swait.ge [sflag:s4], $0x80  }
.Ltmp1:
0x8f: {  	[sflag:s4] =	ssyncset.done $0x0;
	(pc) =	sbr.rel @!p1 .LBB2_3-.Ltmp1, $4  }
0x90: {  	[sflag:s4] =	ssyncadd.s32 $0xFFFFFF80  }
0x91: {  	[hbm4b:s2+s5] =	stream.indirect.scatter [tilespmem:s8], [sflag:$0x2], $0x1, s7, s5, $0xb8;
	[tilespmem:$0xCB80] =	vst v63  }
0x92: {  	p0 =	por $0x1, $0x1;
	_ =	swait.ge [sflag:s4], $0x80  }
0x93: {  	s1 =	sadd.s32 $0xFFFFFFFF, s6;
	s0 =	rddreg [dreg:$0x3];
	[sflag:s4] =	ssyncset.done $0x0  }
.LBB2_4:
0x94: {  	[sflag:s4] =	ssyncadd.s32 $0xFFFFFF80  }
0x95: {  	[tilespmem:s3], [sflag:$0x3] =	stream.linear.gather [hbm4b:s0+s3], $0xC380, $0x38;
	[tilespmem:$0xCB80] =	vst v63  }
0x96: {  	_ =	swait.ge [sflag:s17], $0xC380  }
0x97: {  	[sflag:s17] =	ssyncset.done $0x0  }
0x98: {  	[sflag:s17] =	ssyncadd.s32 $0xFFFF3C80  }
0x99: {  	[hbm4b:s26+s3] =	stream.linear.scatter [tilespmem:s3], [sflag:$0x1], $0xC350, $0x38;
	[tilespmem:$0xCB80] =	vst v63  }
0x9a: {  	s0 =	rddreg [dreg:$0x4]  }
0x9b: {  	[hbm4b:s0+s3] =	stream.linear.scatter [tilespmem:s3], [sflag:$0x1], $0xC350, $0x38;
	[tilespmem:$0xCB80] =	vst v63  }
0x9c: {  	s6 =	rddreg [dreg:$0x5]  }
0x9d: {  	[hbm4b:s6+s3] =	stream.linear.scatter [tilespmem:s3], [sflag:$0x1], $0xC350, $0x38;
	[tilespmem:$0xCB80] =	vst v63  }
0x9e: {  	s0 =	rddreg [dreg:$0x6]  }
0x9f: {  	[hbm4b:s0+s3] =	stream.linear.scatter [tilespmem:s3], [sflag:$0x1], $0xC350, $0x38;
	[tilespmem:$0xCB80] =	vst v63  }
0xa0: {  	s6 =	rddreg [dreg:$0x7]  }
0xa1: {  	[hbm4b:s6+s3] =	stream.linear.scatter [tilespmem:s3], [sflag:$0x1], $0xC350, $0x38;
	[tilespmem:$0xCB80] =	vst v63  }
0xa2: {  	s0 =	rddreg [dreg:$0x8]  }
0xa3: {  	[hbm4b:s0+s3] =	stream.linear.scatter [tilespmem:s3], [sflag:$0x1], $0xC350, $0x38;
	[tilespmem:$0xCB80] =	vst v63  }
0xa4: {  	s6 =	rddreg [dreg:$0x9]  }
0xa5: {  	[hbm4b:s6+s3] =	stream.linear.scatter [tilespmem:s3], [sflag:$0x1], $0xC350, $0x38;
	[tilespmem:$0xCB80] =	vst v63  }
0xa6: {  	s0 =	rddreg [dreg:$0xa]  }
0xa7: {  	[hbm4b:s0+s3] =	stream.linear.scatter [tilespmem:s3], [sflag:$0x1], $0xC350, $0x38;
	[tilespmem:$0xCB80] =	vst v63  }
0xa8: {  	s6 =	rddreg [dreg:$0xb]  }
0xa9: {  	[hbm4b:s6+s3] =	stream.linear.scatter [tilespmem:s3], [sflag:$0x1], $0xC350, $0x38;
	[tilespmem:$0xCB80] =	vst v63  }
0xaa: {  	s0 =	rddreg [dreg:$0xc]  }
0xab: {  	[hbm4b:s0+s3] =	stream.linear.scatter [tilespmem:s3], [sflag:$0x1], $0xC350, $0x38;
	[tilespmem:$0xCB80] =	vst v63  }
0xac: {  	s6 =	rddreg [dreg:$0xd]  }
0xad: {  	[hbm4b:s6+s3] =	stream.linear.scatter [tilespmem:s3], [sflag:$0x1], $0xC350, $0x38;
	[tilespmem:$0xCB80] =	vst v63  }
0xae: {  	s0 =	rddreg [dreg:$0xe]  }
0xaf: {  	[hbm4b:s0+s3] =	stream.linear.scatter [tilespmem:s3], [sflag:$0x1], $0xC350, $0x38;
	[tilespmem:$0xCB80] =	vst v63  }
0xb0: {  	_ = 	snop  }
0xb1: {  	[hbm4b:s28+s3] =	stream.linear.scatter [tilespmem:s3], [sflag:$0x1], $0xC350, $0x38;
	[tilespmem:$0xCB80] =	vst v63  }
0xb2: {  	_ = 	snop  }
0xb3: {  	[hbm4b:s29+s3] =	stream.linear.scatter [tilespmem:s3], [sflag:$0x1], $0xC350, $0x38;
	[tilespmem:$0xCB80] =	vst v63  }
0xb4: {  	_ = 	snop  }
0xb5: {  	[hbm4b:s30+s3] =	stream.linear.scatter [tilespmem:s3], [sflag:$0x1], $0xC350, $0x38;
	[tilespmem:$0xCB80] =	vst v63  }
0xb6: {  	_ = 	snop  }
0xb7: {  	[hbm4b:s31+s3] =	stream.linear.scatter [tilespmem:s3], [sflag:$0x1], $0xC350, $0x38;
	[tilespmem:$0xCB80] =	vst v63  }
0xb8: {  	_ =	swait.ge [sflag:s25], $0xC350  }
0xb9: {  	[sflag:s25] =	ssyncset.done $0x0  }
0xba: {  	[sflag:s25] =	ssyncadd.s32 $0xFFFF3CB0  }
0xbb: {  	_ =	swait.ge [sflag:s25], $0xC350  }
0xbc: {  	[sflag:s25] =	ssyncset.done $0x0  }
0xbd: {  	[sflag:s25] =	ssyncadd.s32 $0xFFFF3CB0  }
0xbe: {  	_ =	swait.ge [sflag:s25], $0xC350  }
0xbf: {  	[sflag:s25] =	ssyncset.done $0x0  }
0xc0: {  	[sflag:s25] =	ssyncadd.s32 $0xFFFF3CB0  }
0xc1: {  	_ =	swait.ge [sflag:s25], $0xC350  }
0xc2: {  	[sflag:s25] =	ssyncset.done $0x0  }
0xc3: {  	[sflag:s25] =	ssyncadd.s32 $0xFFFF3CB0  }
0xc4: {  	_ =	swait.ge [sflag:s25], $0xC350  }
0xc5: {  	[sflag:s25] =	ssyncset.done $0x0  }
0xc6: {  	[sflag:s25] =	ssyncadd.s32 $0xFFFF3CB0  }
0xc7: {  	_ =	swait.ge [sflag:s25], $0xC350  }
0xc8: {  	[sflag:s25] =	ssyncset.done $0x0  }
0xc9: {  	[sflag:s25] =	ssyncadd.s32 $0xFFFF3CB0  }
0xca: {  	_ =	swait.ge [sflag:s25], $0xC350  }
0xcb: {  	[sflag:s25] =	ssyncset.done $0x0  }
0xcc: {  	[sflag:s25] =	ssyncadd.s32 $0xFFFF3CB0  }
0xcd: {  	_ =	swait.ge [sflag:s25], $0xC350  }
0xce: {  	[sflag:s25] =	ssyncset.done $0x0  }
0xcf: {  	[sflag:s25] =	ssyncadd.s32 $0xFFFF3CB0  }
0xd0: {  	_ =	swait.ge [sflag:s25], $0xC350  }
0xd1: {  	[sflag:s25] =	ssyncset.done $0x0  }
0xd2: {  	[sflag:s25] =	ssyncadd.s32 $0xFFFF3CB0  }
0xd3: {  	_ =	swait.ge [sflag:s25], $0xC350  }
0xd4: {  	[sflag:s25] =	ssyncset.done $0x0  }
0xd5: {  	[sflag:s25] =	ssyncadd.s32 $0xFFFF3CB0  }
0xd6: {  	_ =	swait.ge [sflag:s25], $0xC350  }
0xd7: {  	[sflag:s25] =	ssyncset.done $0x0  }
0xd8: {  	[sflag:s25] =	ssyncadd.s32 $0xFFFF3CB0  }
0xd9: {  	_ =	swait.ge [sflag:s25], $0xC350  }
0xda: {  	[sflag:s25] =	ssyncset.done $0x0  }
0xdb: {  	[sflag:s25] =	ssyncadd.s32 $0xFFFF3CB0  }
0xdc: {  	_ =	swait.ge [sflag:s25], $0xC350  }
0xdd: {  	[sflag:s25] =	ssyncset.done $0x0  }
0xde: {  	[sflag:s25] =	ssyncadd.s32 $0xFFFF3CB0  }
0xdf: {  	_ =	swait.ge [sflag:s25], $0xC350  }
0xe0: {  	[sflag:s25] =	ssyncset.done $0x0  }
0xe1: {  	[sflag:s25] =	ssyncadd.s32 $0xFFFF3CB0  }
0xe2: {  	_ =	swait.ge [sflag:s25], $0xC350  }
0xe3: {  	[sflag:s25] =	ssyncset.done $0x0  }
0xe4: {  	[sflag:s25] =	ssyncadd.s32 $0xFFFF3CB0  }
0xe5: {  	_ =	swait.ge [sflag:s25], $0xC350  }
0xe6: {  	[sflag:s25] =	ssyncset.done $0x0  }
0xe7: {  	[sflag:s25] =	ssyncadd.s32 $0xFFFF3CB0  }
0xe8: {  	[tilespmem:s20], [sflag:$0x3] =	stream.linear.gather [hbm4b:s24+s3], $0x400, $0x38;
	[tilespmem:$0xCB80] =	vst v63  }
0xe9: {  	_ =	swait.ge [sflag:s17], $0x400  }
0xea: {  	[sflag:s17] =	ssyncset.done $0x0  }
0xeb: {  	[sflag:s17] =	ssyncadd.s32 $0xFFFFFC00  }
0xec: {  	[tilespmem:s22], [sflag:$0x3] =	stream.linear.gather [hbm4b:s19+s3], $0x400, $0x38;
	[tilespmem:$0xCB80] =	vst v63  }
0xed: {  	_ =	swait.ge [sflag:s17], $0x400  }
0xee: {  	[sflag:s17] =	ssyncset.done $0x0  }
0xef: {  	[sflag:s17] =	ssyncadd.s32 $0xFFFFFC00  }
0xf0: {  	[hbm4b:s2+s5] =	stream.indirect.scatter [tilespmem:s22], [sflag:$0x2], $0x1, s20, s5, $0xb8;
	[tilespmem:$0xCB80] =	vst v63  }
0xf1: {  	_ =	swait.ge [sflag:s4], $0x80  }
0xf2: {  	[sflag:s4] =	ssyncset.done $0x0  }
0xf3: {  	[sflag:s4] =	ssyncadd.s32 $0xFFFFFF80  }
0xf4: {  	[hbm4b:s2+s5] =	stream.indirect.scatter [tilespmem:s10], [sflag:$0x2], $0x1, s23, s5, $0xb8;
	[tilespmem:$0xCB80] =	vst v63  }
0xf5: {  	_ =	swait.ge [sflag:s4], $0x80  }
0xf6: {  	[sflag:s4] =	ssyncset.done $0x0  }
0xf7: {  	[sflag:s4] =	ssyncadd.s32 $0xFFFFFF80  }
0xf8: {  	[hbm4b:s2+s5] =	stream.indirect.scatter [tilespmem:s21], [sflag:$0x2], $0x1, s18, s5, $0xb8;
	[tilespmem:$0xCB80] =	vst v63  }
0xf9: {  	_ =	swait.ge [sflag:s4], $0x80  }
0xfa: {  	[sflag:s4] =	ssyncset.done $0x0  }
0xfb: {  	[sflag:s4] =	ssyncadd.s32 $0xFFFFFF80  }
0xfc: {  	[hbm4b:s2+s5] =	stream.indirect.scatter [tilespmem:s16], [sflag:$0x2], $0x1, s14, s5, $0xb8;
	[tilespmem:$0xCB80] =	vst v63  }
0xfd: {  	_ =	swait.ge [sflag:s4], $0x80  }
0xfe: {  	[sflag:s4] =	ssyncset.done $0x0  }
0xff: {  	s6 =	simm.s32 $0xC580;
	[sflag:s4] =	ssyncadd.s32 $0xFFFFFF80  }
0x100: {  	[hbm4b:s2+s5] =	stream.indirect.scatter [tilespmem:s12], [sflag:$0x2], $0x1, s6, s5, $0xb8;
	[tilespmem:$0xCB80] =	vst v63  }
0x101: {  	_ =	swait.ge [sflag:s4], $0x80  }
0x102: {  	[sflag:s4] =	ssyncset.done $0x0  }
0x103: {  	[sflag:s4] =	ssyncadd.s32 $0xFFFFFF80  }
0x104: {  	[hbm4b:s2+s5] =	stream.indirect.scatter [tilespmem:s15], [sflag:$0x2], $0x1, s13, s5, $0xb8;
	[tilespmem:$0xCB80] =	vst v63  }
0x105: {  	_ =	swait.ge [sflag:s4], $0x80  }
0x106: {  	[sflag:s4] =	ssyncset.done $0x0  }
0x107: {  	[sflag:s4] =	ssyncadd.s32 $0xFFFFFF80  }
0x108: {  	[hbm4b:s2+s5] =	stream.indirect.scatter [tilespmem:s11], [sflag:$0x2], $0x1, s9, s5, $0xb8;
	[tilespmem:$0xCB80] =	vst v63  }
0x109: {  	p1 =	sne.s32 s1, $0x1;
	_ =	swait.ge [sflag:s4], $0x80  }
.Ltmp2:
0x10a: {  	[sflag:s4] =	ssyncset.done $0x0;
	(pc) =	sbr.rel @p1 .LBB2_4-.Ltmp2, $4  }
0x10b: {  	[sflag:s4] =	ssyncadd.s32 $0xFFFFFF80  }
0x10c: {  	[hbm4b:s2+s5] =	stream.indirect.scatter [tilespmem:s8], [sflag:$0x2], $0x1, s7, s5, $0xb8;
	[tilespmem:$0xCB80] =	vst v63  }
0x10d: {  	_ =	swait.ge [sflag:s4], $0x80  }
0x10e: {  	s1 =	sadd.s32 $0xFFFFFFFF, s1;
	s0 =	rddreg [dreg:$0x3];
	[sflag:s4] =	ssyncset.done $0x0  }
0x10f: {  	s8 =	simm.s32 $0xC800;
	s23 =	simm.s32 $0xC400  }
0x110: {  	s21 =	simm.s32 $0xC880;
	s18 =	simm.s32 $0xC480;
	s16 =	simm.s32 $0xC900  }
0x111: {  	s15 =	simm.s32 $0xCA00;
	s14 =	simm.s32 $0xC500;
	s13 =	simm.s32 $0xC600  }
0x112: {  	s12 =	simm.s32 $0xC980;
	s11 =	simm.s32 $0xCA80;
	s10 =	simm.s32 $0xC580  }
0x113: {  	s9 =	simm.s32 $0xC680;
	s7 =	simm.s32 $0xC700;
	s6 =	stileid.u32  }
.LBB2_6:
0x114: {  	[sflag:s4] =	ssyncadd.s32 @p0 $0xFFFFFF80  }
0x115: {  	[tilespmem:s3], [sflag:$0x3] =	stream.linear.gather [hbm4b:s0+s3], $0xC380, $0x38;
	[tilespmem:$0xCB80] =	vst v63  }
0x116: {  	_ =	swait.ge [sflag:s17], $0xC380  }
0x117: {  	[sflag:s17] =	ssyncset.done $0x0  }
0x118: {  	[sflag:s17] =	ssyncadd.s32 $0xFFFF3C80  }
0x119: {  	[hbm4b:s26+s3] =	stream.linear.scatter [tilespmem:s3], [sflag:$0x1], $0xC350, $0x38;
	[tilespmem:$0xCB80] =	vst v63  }
0x11a: {  	s0 =	rddreg [dreg:$0x4]  }
0x11b: {  	[hbm4b:s0+s3] =	stream.linear.scatter [tilespmem:s3], [sflag:$0x1], $0xC350, $0x38;
	[tilespmem:$0xCB80] =	vst v63  }
0x11c: {  	s1 =	rddreg [dreg:$0x5]  }
0x11d: {  	[hbm4b:s1+s3] =	stream.linear.scatter [tilespmem:s3], [sflag:$0x1], $0xC350, $0x38;
	[tilespmem:$0xCB80] =	vst v63  }
0x11e: {  	s26 =	rddreg [dreg:$0x6]  }
0x11f: {  	[hbm4b:s26+s3] =	stream.linear.scatter [tilespmem:s3], [sflag:$0x1], $0xC350, $0x38;
	[tilespmem:$0xCB80] =	vst v63  }
0x120: {  	s1 =	rddreg [dreg:$0x7]  }
0x121: {  	[hbm4b:s1+s3] =	stream.linear.scatter [tilespmem:s3], [sflag:$0x1], $0xC350, $0x38;
	[tilespmem:$0xCB80] =	vst v63  }
0x122: {  	s26 =	rddreg [dreg:$0x8]  }
0x123: {  	[hbm4b:s26+s3] =	stream.linear.scatter [tilespmem:s3], [sflag:$0x1], $0xC350, $0x38;
	[tilespmem:$0xCB80] =	vst v63  }
0x124: {  	s1 =	rddreg [dreg:$0x9]  }
0x125: {  	[hbm4b:s1+s3] =	stream.linear.scatter [tilespmem:s3], [sflag:$0x1], $0xC350, $0x38;
	[tilespmem:$0xCB80] =	vst v63  }
0x126: {  	s26 =	rddreg [dreg:$0xa]  }
0x127: {  	[hbm4b:s26+s3] =	stream.linear.scatter [tilespmem:s3], [sflag:$0x1], $0xC350, $0x38;
	[tilespmem:$0xCB80] =	vst v63  }
0x128: {  	s1 =	rddreg [dreg:$0xb]  }
0x129: {  	[hbm4b:s1+s3] =	stream.linear.scatter [tilespmem:s3], [sflag:$0x1], $0xC350, $0x38;
	[tilespmem:$0xCB80] =	vst v63  }
0x12a: {  	s26 =	rddreg [dreg:$0xc]  }
0x12b: {  	[hbm4b:s26+s3] =	stream.linear.scatter [tilespmem:s3], [sflag:$0x1], $0xC350, $0x38;
	[tilespmem:$0xCB80] =	vst v63  }
0x12c: {  	s1 =	rddreg [dreg:$0xd]  }
0x12d: {  	[hbm4b:s1+s3] =	stream.linear.scatter [tilespmem:s3], [sflag:$0x1], $0xC350, $0x38;
	[tilespmem:$0xCB80] =	vst v63  }
0x12e: {  	s26 =	rddreg [dreg:$0xe]  }
0x12f: {  	[hbm4b:s26+s3] =	stream.linear.scatter [tilespmem:s3], [sflag:$0x1], $0xC350, $0x38;
	[tilespmem:$0xCB80] =	vst v63  }
0x130: {  	_ = 	snop  }
0x131: {  	[hbm4b:s28+s3] =	stream.linear.scatter [tilespmem:s3], [sflag:$0x1], $0xC350, $0x38;
	[tilespmem:$0xCB80] =	vst v63  }
0x132: {  	_ = 	snop  }
0x133: {  	[hbm4b:s29+s3] =	stream.linear.scatter [tilespmem:s3], [sflag:$0x1], $0xC350, $0x38;
	[tilespmem:$0xCB80] =	vst v63  }
0x134: {  	_ = 	snop  }
0x135: {  	[hbm4b:s30+s3] =	stream.linear.scatter [tilespmem:s3], [sflag:$0x1], $0xC350, $0x38;
	[tilespmem:$0xCB80] =	vst v63  }
0x136: {  	_ = 	snop  }
0x137: {  	[hbm4b:s31+s3] =	stream.linear.scatter [tilespmem:s3], [sflag:$0x1], $0xC350, $0x38;
	[tilespmem:$0xCB80] =	vst v63  }
0x138: {  	_ =	swait.ge [sflag:s25], $0xC350  }
0x139: {  	[sflag:s25] =	ssyncset.done $0x0  }
0x13a: {  	[sflag:s25] =	ssyncadd.s32 $0xFFFF3CB0  }
0x13b: {  	_ =	swait.ge [sflag:s25], $0xC350  }
0x13c: {  	[sflag:s25] =	ssyncset.done $0x0  }
0x13d: {  	[sflag:s25] =	ssyncadd.s32 $0xFFFF3CB0  }
0x13e: {  	_ =	swait.ge [sflag:s25], $0xC350  }
0x13f: {  	[sflag:s25] =	ssyncset.done $0x0  }
0x140: {  	[sflag:s25] =	ssyncadd.s32 $0xFFFF3CB0  }
0x141: {  	_ =	swait.ge [sflag:s25], $0xC350  }
0x142: {  	[sflag:s25] =	ssyncset.done $0x0  }
0x143: {  	[sflag:s25] =	ssyncadd.s32 $0xFFFF3CB0  }
0x144: {  	_ =	swait.ge [sflag:s25], $0xC350  }
0x145: {  	[sflag:s25] =	ssyncset.done $0x0  }
0x146: {  	[sflag:s25] =	ssyncadd.s32 $0xFFFF3CB0  }
0x147: {  	_ =	swait.ge [sflag:s25], $0xC350  }
0x148: {  	[sflag:s25] =	ssyncset.done $0x0  }
0x149: {  	[sflag:s25] =	ssyncadd.s32 $0xFFFF3CB0  }
0x14a: {  	_ =	swait.ge [sflag:s25], $0xC350  }
0x14b: {  	[sflag:s25] =	ssyncset.done $0x0  }
0x14c: {  	[sflag:s25] =	ssyncadd.s32 $0xFFFF3CB0  }
0x14d: {  	_ =	swait.ge [sflag:s25], $0xC350  }
0x14e: {  	[sflag:s25] =	ssyncset.done $0x0  }
0x14f: {  	[sflag:s25] =	ssyncadd.s32 $0xFFFF3CB0  }
0x150: {  	_ =	swait.ge [sflag:s25], $0xC350  }
0x151: {  	[sflag:s25] =	ssyncset.done $0x0  }
0x152: {  	[sflag:s25] =	ssyncadd.s32 $0xFFFF3CB0  }
0x153: {  	_ =	swait.ge [sflag:s25], $0xC350  }
0x154: {  	[sflag:s25] =	ssyncset.done $0x0  }
0x155: {  	[sflag:s25] =	ssyncadd.s32 $0xFFFF3CB0  }
0x156: {  	_ =	swait.ge [sflag:s25], $0xC350  }
0x157: {  	[sflag:s25] =	ssyncset.done $0x0  }
0x158: {  	[sflag:s25] =	ssyncadd.s32 $0xFFFF3CB0  }
0x159: {  	_ =	swait.ge [sflag:s25], $0xC350  }
0x15a: {  	[sflag:s25] =	ssyncset.done $0x0  }
0x15b: {  	[sflag:s25] =	ssyncadd.s32 $0xFFFF3CB0  }
0x15c: {  	_ =	swait.ge [sflag:s25], $0xC350  }
0x15d: {  	[sflag:s25] =	ssyncset.done $0x0  }
0x15e: {  	[sflag:s25] =	ssyncadd.s32 $0xFFFF3CB0  }
0x15f: {  	_ =	swait.ge [sflag:s25], $0xC350  }
0x160: {  	[sflag:s25] =	ssyncset.done $0x0  }
0x161: {  	[sflag:s25] =	ssyncadd.s32 $0xFFFF3CB0  }
0x162: {  	_ =	swait.ge [sflag:s25], $0xC350  }
0x163: {  	[sflag:s25] =	ssyncset.done $0x0  }
0x164: {  	[sflag:s25] =	ssyncadd.s32 $0xFFFF3CB0  }
0x165: {  	_ =	swait.ge [sflag:s25], $0xC350  }
0x166: {  	[sflag:s25] =	ssyncset.done $0x0  }
0x167: {  	[sflag:s25] =	ssyncadd.s32 $0xFFFF3CB0  }
0x168: {  	[tilespmem:s20], [sflag:$0x3] =	stream.linear.gather [hbm4b:s24+s3], $0x400, $0x38;
	[tilespmem:$0xCB80] =	vst v63  }
0x169: {  	_ =	swait.ge [sflag:s17], $0x400  }
0x16a: {  	[sflag:s17] =	ssyncset.done $0x0  }
0x16b: {  	[sflag:s17] =	ssyncadd.s32 $0xFFFFFC00  }
0x16c: {  	[tilespmem:s22], [sflag:$0x3] =	stream.linear.gather [hbm4b:s19+s3], $0x400, $0x38;
	[tilespmem:$0xCB80] =	vst v63  }
0x16d: {  	_ =	swait.ge [sflag:s17], $0x400  }
0x16e: {  	[sflag:s17] =	ssyncset.done $0x0  }
0x16f: {  	[sflag:s17] =	ssyncadd.s32 $0xFFFFFC00  }
0x170: {  	[hbm4b:s2+s5] =	stream.indirect.scatter [tilespmem:s22], [sflag:$0x2], $0x1, s20, s5, $0xb8;
	[tilespmem:$0xCB80] =	vst v63  }
0x171: {  	_ =	swait.ge [sflag:s4], $0x80  }
0x172: {  	[sflag:s4] =	ssyncset.done $0x0  }
0x173: {  	[sflag:s4] =	ssyncadd.s32 $0xFFFFFF80  }
0x174: {  	[hbm4b:s2+s5] =	stream.indirect.scatter [tilespmem:s8], [sflag:$0x2], $0x1, s23, s5, $0xb8;
	[tilespmem:$0xCB80] =	vst v63  }
0x175: {  	_ =	swait.ge [sflag:s4], $0x80  }
0x176: {  	[sflag:s4] =	ssyncset.done $0x0  }
0x177: {  	[sflag:s4] =	ssyncadd.s32 $0xFFFFFF80  }
0x178: {  	[hbm4b:s2+s5] =	stream.indirect.scatter [tilespmem:s21], [sflag:$0x2], $0x1, s18, s5, $0xb8;
	[tilespmem:$0xCB80] =	vst v63  }
0x179: {  	_ =	swait.ge [sflag:s4], $0x80  }
0x17a: {  	[sflag:s4] =	ssyncset.done $0x0  }
0x17b: {  	[sflag:s4] =	ssyncadd.s32 $0xFFFFFF80  }
0x17c: {  	[hbm4b:s2+s5] =	stream.indirect.scatter [tilespmem:s16], [sflag:$0x2], $0x1, s14, s5, $0xb8;
	[tilespmem:$0xCB80] =	vst v63  }
0x17d: {  	_ =	swait.ge [sflag:s4], $0x80  }
0x17e: {  	[sflag:s4] =	ssyncset.done $0x0  }
0x17f: {  	[sflag:s4] =	ssyncadd.s32 $0xFFFFFF80  }
0x180: {  	[hbm4b:s2+s5] =	stream.indirect.scatter [tilespmem:s12], [sflag:$0x2], $0x1, s10, s5, $0xb8;
	[tilespmem:$0xCB80] =	vst v63  }
0x181: {  	_ =	swait.ge [sflag:s4], $0x80  }
0x182: {  	[sflag:s4] =	ssyncset.done $0x0  }
0x183: {  	[sflag:s4] =	ssyncadd.s32 $0xFFFFFF80  }
0x184: {  	[hbm4b:s2+s5] =	stream.indirect.scatter [tilespmem:s15], [sflag:$0x2], $0x1, s13, s5, $0xb8;
	[tilespmem:$0xCB80] =	vst v63  }
0x185: {  	_ =	swait.ge [sflag:s4], $0x80  }
0x186: {  	[sflag:s4] =	ssyncset.done $0x0  }
0x187: {  	[sflag:s4] =	ssyncadd.s32 $0xFFFFFF80  }
0x188: {  	[hbm4b:s2+s5] =	stream.indirect.scatter [tilespmem:s11], [sflag:$0x2], $0x1, s9, s5, $0xb8;
	[tilespmem:$0xCB80] =	vst v63  }
0x189: {  	_ =	swait.ge [sflag:s4], $0x80  }
0x18a: {  	[sflag:s4] =	ssyncset.done $0x0  }
0x18b: {  	s31 =	simm.s32 $0xCB00;
	[sflag:s4] =	ssyncadd.s32 $0xFFFFFF80  }
0x18c: {  	[hbm4b:s2+s5] =	stream.indirect.scatter [tilespmem:s31], [sflag:$0x2], $0x1, s7, s5, $0xb8;
	[tilespmem:$0xCB80] =	vst v63  }
0x18d: {  	_ =	swait.ge [sflag:s4], $0x80  }
0x18e: {  	[sflag:s4] =	ssyncset.done $0x0  }
0x18f: {  	[sflag:s4] =	ssyncadd.s32 $0xFFFFFF80  }
0x190: {  	_ =	sfence.sel $0x180000  }
0x191: {  	[bflag:$0x0] =	sbarrier.arrive $0xFFFF  }
0x192: {  	_ =	strace $0x90000047  }
0x193: {  	[bflag:$0x2] =	sbarrier.arrive $0xFFFF  }
0x194: {  	p0 =	sne.s32 s6, $0x0;
	s0 =	rddreg [dreg:$0x2]  }
0x195: {  	s0 =	sadd.s32 @!p0 $0x100000, s0  }
0x196: {  	[sflag:s0] =	ssyncadd.tile.s32 @!p0 $0x1;
	_ =	shalt  }
.LBB2_1:
.Ltmp3:
0x197: {  	s8 =	simm.s32 $0xC800;
	(pc) =	sbr.rel .LBB2_6-.Ltmp3, $4  }
0x198: {  	s23 =	simm.s32 $0xC400;
	s21 =	simm.s32 $0xC880;
	s18 =	simm.s32 $0xC480  }
0x199: {  	s16 =	simm.s32 $0xC900;
	s15 =	simm.s32 $0xCA00;
	s14 =	simm.s32 $0xC500  }
0x19a: {  	s13 =	simm.s32 $0xC600;
	s12 =	simm.s32 $0xC980;
	s11 =	simm.s32 $0xCA80  }
0x19b: {  	s10 =	simm.s32 $0xC580;
	s9 =	simm.s32 $0xC680;
	s7 =	simm.s32 $0xC700  }
.LBB2_3:
.Ltmp4:
0x19c: {  	s8 =	simm.s32 $0xC800;
	s23 =	simm.s32 $0xC400;
	(pc) =	sbr.rel .LBB2_6-.Ltmp4, $4  }
0x19d: {  	s21 =	simm.s32 $0xC880;
	s18 =	simm.s32 $0xC480;
	s16 =	simm.s32 $0xC900  }
0x19e: {  	s15 =	simm.s32 $0xCA00;
	s14 =	simm.s32 $0xC500;
	s13 =	simm.s32 $0xC600  }
0x19f: {  	s12 =	simm.s32 $0xC980;
	s11 =	simm.s32 $0xCA80;
	s10 =	simm.s32 $0xC580  }
0x1a0: {  	s9 =	simm.s32 $0xC680;
	s7 =	simm.s32 $0xC700;
	s6 =	stileid.u32  }
.Lfunc_end2:
_tile_overlayer_lowered:
.L_overlay_start_2:
0x1a1: {  	(tag) =	ssettag $0x2  }
0x1a2: {  	s0 =	rddreg [dreg:$0x0];
	s2 =	stileid.u32  }
0x1a3: {  	s1 =	rddreg [dreg:$0x1];
	p0 =	sne.s32 s2, $0x0  }
0x1a4: {  	s3 =	rddreg [dreg:$0x2];
	[bflag:$0x3] =	sbarrier.arrive $0xFFFF;
	s2 =	simm.s32 @!p0 $0x1C03  }
0x1a5: {  	[timem:s3], [sflag:s2] =	dma.local @!p0 [hbm:s0], s1  }
0x1a6: {  	s0 =	simm.s32 @!p0 $0x3  }
0x1a7: {  	_ =	swait.ge @!p0 [sflag:s0], s1  }
0x1a8: {  	s1 =	ssub.s32 @!p0 $0x0, s1;
	[sflag:s0] =	ssyncset.done @!p0 $0x0  }
0x1a9: {  	[sflag:s0] =	ssyncadd.s32 @!p0 s1  }
0x1aa: {  	[bflag:$0x3] =	sbarrier.arrive $0xFFFF  }
0x1ab: {  	_ =	shalt  }

</sc_bundles>
